<compile_context>
chip_gen: v7x
topology: tpu7x:2x2x1
jax: 0.10.2.dev20260603
libtpu: 0.0.44.dev20260713+nightly
codegen_flags: <defaults>
</compile_context>

<pallas_src>
import functools

import jax
import jax.numpy as jnp
from jax import lax
from jax.experimental import pallas as pl
from jax.experimental.pallas import tpu as pltpu
from jax.experimental.pallas import tpu_sc as plsc

N = 10000
E = 320000
D = 128
RT = 2 * N
RL = 10240
TRASH = N
NC = 2
NS = 16
NW = NC * NS
CH = 128
KR = 1
NCHUNK = 158
SQ = NCHUNK // KR
PW = NCHUNK * CH
EPG = NS * PW
EP = NC * EPG
DC = 2528

_HI = jax.lax.Precision.HIGHEST


def _dot(a, b):
    return jnp.dot(a, b, precision=_HI)



def _sc_mesh():
    return plsc.VectorSubcoreMesh(
        core_axis_name="c", subcore_axis_name="s",
        num_cores=NC, num_subcores=NS)


def _make_deg_kernel():
    return functools.partial(
        pl.kernel,
        out_type=jax.ShapeDtypeStruct((NW * RL,), jnp.float32),
        mesh=_sc_mesh(),
        scratch_types=[
            pltpu.VMEM((DC,), jnp.int32),
            pltpu.VMEM((RL,), jnp.float32),
        ],
        compiler_params=pltpu.CompilerParams(needs_layout_passes=False),
    )(_deg_body)


def _deg_body(dst_hbm, out, dstb, degv):
    wid = lax.axis_index("c") * NS + lax.axis_index("s")
    zeros16 = jnp.zeros((16,), jnp.float32)
    ones16 = jnp.ones((16,), jnp.float32)

    def zbody(i, _):
        degv[pl.ds(pl.multiple_of(i * 16, 16), 16)] = zeros16
        return _

    lax.fori_loop(0, RL // 16, zbody, None)

    base = pl.multiple_of(wid * PW, 8)

    def chunk(jc, _):
        pltpu.sync_copy(dst_hbm.at[pl.ds(pl.multiple_of(base + jc * DC, 8), DC)], dstb)

        def inner(t, _):
            idx = dstb[pl.ds(pl.multiple_of(t * 16, 16), 16)]
            plsc.addupdate_scatter(degv, [idx], ones16)
            return _

        lax.fori_loop(0, DC // 16, inner, None)
        return _

    lax.fori_loop(0, PW // DC, chunk, None)
    pltpu.sync_copy(degv, out.at[pl.ds(pl.multiple_of(wid * RL, 8), RL)])


def _make_scatter_kernel(W):
    rows_per_tile = RL // NS

    @functools.partial(
        pl.kernel,
        out_type=jax.ShapeDtypeStruct((NC * RL, W), jnp.bfloat16),
        mesh=_sc_mesh(),
        scratch_types=[
            pltpu.VMEM((PW,), jnp.int32),
            pltpu.VMEM((NCHUNK, CH), jnp.int32),
            pltpu.VMEM((KR * CH, W), jnp.bfloat16),
            pltpu.VMEM((KR * CH, W), jnp.bfloat16),
            pltpu.VMEM_SHARED((RL, W), jnp.bfloat16),
            pltpu.SemaphoreType.DMA,
            pltpu.SemaphoreType.DMA,
        ],
        compiler_params=pltpu.CompilerParams(
            needs_layout_passes=False, use_tc_tiling_on_sc=False),
    )
    def k(table, src_hbm, dst2d_hbm, zeros_hbm, out, sb, db, r0, r1,
          acc, semg0, semg1):
        c = lax.axis_index("c")
        s = lax.axis_index("s")
        wid = c * NS + s
        pltpu.sync_copy(src_hbm.at[pl.ds(pl.multiple_of(wid * PW, 8), PW)], sb)
        pltpu.sync_copy(dst2d_hbm.at[pl.ds(wid * NCHUNK, NCHUNK)], db)
        zrow = pl.multiple_of(s * rows_per_tile, 8)
        pltpu.sync_copy(zeros_hbm.at[pl.ds(zrow, rows_per_tile)],
                        acc.at[pl.ds(zrow, rows_per_tile)])
        plsc.subcore_barrier()

        def sidx(j):
            return sb.at[pl.ds(pl.multiple_of(j * CH, 8), CH)]

        def gather(q, rbuf, semg):
            return pltpu.async_copy(table.at[sidx(q)], rbuf, semg)

        def wait_g(q, rbuf, semg):
            pltpu.make_async_copy(table.at[sidx(q)], rbuf, semg).wait()

        gather(0, r0, semg0)

        np2 = NCHUNK // 2

        def pair(p, _):
            j0 = 2 * p
            gather(j0 + 1, r1, semg1)
            wait_g(j0, r0, semg0)
            pltpu.sync_copy(r0, acc.at[db.at[j0]], add=True)

            @pl.when(p < np2 - 1)
            def _():
                gather(j0 + 2, r0, semg0)

            wait_g(j0 + 1, r1, semg1)
            pltpu.sync_copy(r1, acc.at[db.at[j0 + 1]], add=True)
            return _

        lax.fori_loop(0, np2, pair, None)
        plsc.subcore_barrier()
        pltpu.sync_copy(acc.at[pl.ds(zrow, rows_per_tile)],
                        out.at[pl.ds(c * RL + zrow, rows_per_tile)])

    return k


@functools.lru_cache(maxsize=None)
def _sc_kernels():
    return _make_deg_kernel(), _make_scatter_kernel(64), _make_scatter_kernel(32)



def _deg_combine_body(parts_ref, out_ref):
    x = parts_ref[...]
    d0 = jnp.sum(x[:NS], axis=0, keepdims=True)
    d1 = jnp.sum(x[NS:], axis=0, keepdims=True)
    out_ref[...] = jax.lax.rsqrt(jnp.concatenate([d0, d1], axis=0) + 1.0)


BR = 2000
NBG = N // BR


def _t1_body(x_ref, w1_ref, dinv_ref, out_ref):
    out_ref[...] = (dinv_ref[...] * _dot(x_ref[...], w1_ref[...])
                    ).astype(jnp.bfloat16)


def _mid_body(acc_ref, g_ref, b_ref, dinv_ref, w_ref, out_ref):
    accsum = acc_ref[0].astype(jnp.float32) + g_ref[...].astype(jnp.float32)
    y = jnp.maximum(dinv_ref[...] * accsum + b_ref[...], 0.0)
    out_ref[...] = (dinv_ref[...] * _dot(y, w_ref[...])).astype(jnp.bfloat16)


def _fin_body(acc_ref, g3_ref, dinv_ref, w3_ref, b3_ref, out_ref):
    accsum = acc_ref[0].astype(jnp.float32) + g3_ref[...].astype(jnp.float32)
    z = dinv_ref[...] * accsum
    out_ref[...] = _dot(z, w3_ref[...]) + b3_ref[...]


def _att_body(y3_ref, watt_ref, out_ref):
    y3 = y3_ref[0]
    m = jnp.mean(y3, axis=0, keepdims=True)
    cvec = jnp.tanh(_dot(m, watt_ref[...]))
    a = jax.nn.sigmoid(
        lax.dot_general(y3, cvec, (((1,), (1,)), ((), ())), precision=_HI))
    pooled = jnp.sum(a * y3, axis=0, keepdims=True)
    out_ref[...] = jnp.broadcast_to(pooled, (8, D))


def _head_body(hi_ref, hj_rep_ref, hcat_ref, wt_ref, sel_ref, vt_ref, bntn_ref,
               m1w_ref, m1b_ref, m2w_ref, m2b_ref, m3w_ref, m3b_ref,
               m4w_ref, m4b_ref, sw_ref, sb_ref, out_ref):
    u = _dot(hi_ref[...], wt_ref[...])
    bilinear = _dot(u * hj_rep_ref[...], sel_ref[...])
    lin = _dot(hcat_ref[...], vt_ref[...])
    inter = jnp.tanh(bilinear + lin + bntn_ref[...])
    inter = jnp.maximum(_dot(inter, m1w_ref[...]) + m1b_ref[...], 0.0)
    inter = jnp.maximum(_dot(inter, m2w_ref[...]) + m2b_ref[...], 0.0)
    inter = jnp.maximum(_dot(inter, m3w_ref[...]) + m3b_ref[...], 0.0)
    inter = jnp.maximum(_dot(inter, m4w_ref[...]) + m4b_ref[...], 0.0)
    out_ref[...] = jax.nn.sigmoid(_dot(inter, sw_ref[...]) + sb_ref[...])



def kernel(x_i, edge_index_i, x_j, edge_index_j, W1, b1, W2, b2, W3, b3,
           W_att, W_ntn, V_ntn, b_ntn, M1w, M1b, M2w, M2b, M3w, M3b,
           M4w, M4b, score_w, score_b):
    f32 = jnp.float32
    padg = EPG - E
    zpad = jnp.zeros((padg,), jnp.int32)
    tpad = TRASH + jnp.arange(padg, dtype=jnp.int32) % (RL - N)
    src = jnp.concatenate([edge_index_i[0], zpad, edge_index_j[0] + N, zpad])
    dst = jnp.concatenate([edge_index_i[1], tpad, edge_index_j[1], tpad])
    x2 = jnp.concatenate([x_i, x_j], axis=0)
    dst2d = dst.reshape(EP // CH, CH)

    deg_kernel, scatter64, scatter32 = _sc_kernels()

    deg_parts = deg_kernel(dst)
    dinv2 = pl.pallas_call(
        _deg_combine_body,
        out_shape=jax.ShapeDtypeStruct((2, RL), f32),
    )(deg_parts.reshape(NW, RL))
    dinv = jnp.concatenate([dinv2[0, :N], dinv2[1, :N]])[:, None]

    bf16 = jnp.bfloat16
    zeros64 = jnp.zeros((RL, 64), bf16)
    zeros32 = jnp.zeros((RL, 32), bf16)

    g1 = pl.pallas_call(
        _t1_body,
        grid=(2 * NBG,),
        in_specs=[
            pl.BlockSpec((BR, D), lambda r: (r, 0)),
            pl.BlockSpec((D, 64), lambda r: (0, 0)),
            pl.BlockSpec((BR, 1), lambda r: (r, 0)),
        ],
        out_specs=pl.BlockSpec((BR, 64), lambda r: (r, 0)),
        out_shape=jax.ShapeDtypeStruct((RT, 64), jnp.bfloat16),
    )(x2, W1, dinv)
    acc1 = scatter64(g1, src, dst2d, zeros64).reshape(NC, RL, 64)

    def _mid_call(body, acc, g, b, w, win, wout):
        return pl.pallas_call(
            body,
            grid=(2, NBG),
            in_specs=[
                pl.BlockSpec((1, BR, win), lambda g_, r: (g_, r, 0)),
                pl.BlockSpec((BR, win), lambda g_, r: (g_ * NBG + r, 0)),
                pl.BlockSpec((win,), lambda g_, r: (0,)),
                pl.BlockSpec((BR, 1), lambda g_, r: (g_ * NBG + r, 0)),
                pl.BlockSpec((win, wout), lambda g_, r: (0, 0)),
            ],
            out_specs=pl.BlockSpec((BR, wout), lambda g_, r: (g_ * NBG + r, 0)),
            out_shape=jax.ShapeDtypeStruct((RT, wout), jnp.bfloat16),
        )(acc, g, b, dinv, w)

    g2 = _mid_call(_mid_body, acc1, g1, b1, W2, 64, 32)
    acc2 = scatter32(g2, src, dst2d, zeros32).reshape(NC, RL, 32)

    g3 = _mid_call(_mid_body, acc2, g2, b2, jnp.eye(32, dtype=f32), 32, 32)
    acc3 = scatter32(g3, src, dst2d, zeros32).reshape(NC, RL, 32)

    y3 = pl.pallas_call(
        _fin_body,
        grid=(2, NBG),
        in_specs=[
            pl.BlockSpec((1, BR, 32), lambda g_, r: (g_, r, 0)),
            pl.BlockSpec((BR, 32), lambda g_, r: (g_ * NBG + r, 0)),
            pl.BlockSpec((BR, 1), lambda g_, r: (g_ * NBG + r, 0)),
            pl.BlockSpec((32, D), lambda g_, r: (0, 0)),
            pl.BlockSpec((D,), lambda g_, r: (0,)),
        ],
        out_specs=pl.BlockSpec((BR, D), lambda g_, r: (g_ * NBG + r, 0)),
        out_shape=jax.ShapeDtypeStruct((RT, D), f32),
    )(acc3, g3, dinv, W3, b3)

    pooled = pl.pallas_call(
        _att_body,
        grid=(2,),
        in_specs=[
            pl.BlockSpec((1, N, D), lambda g: (g, 0, 0)),
            pl.BlockSpec((D, D), lambda g: (0, 0)),
        ],
        out_specs=pl.BlockSpec((8, D), lambda g: (g, 0)),
        out_shape=jax.ShapeDtypeStruct((16, D), f32),
    )(y3.reshape(2, N, D), W_att)
    pooled = pooled[::8, :]

    hi = pooled[0:1, :]
    hj = pooled[1, :]
    hj_rep = jnp.tile(hj, 16)[None, :]
    hcat = jnp.concatenate([pooled[0], hj])[None, :]
    wt = jnp.transpose(W_ntn, (1, 0, 2)).reshape(D, 16 * D)
    sel = jnp.repeat(jnp.eye(16, dtype=f32), D, axis=0)
    vt = V_ntn.T

    score = pl.pallas_call(
        _head_body, out_shape=jax.ShapeDtypeStruct((1, 1), f32),
    )(hi, hj_rep, hcat, wt, sel, vt, b_ntn[None, :],
      M1w, M1b[None, :], M2w, M2b[None, :], M3w, M3b[None, :],
      M4w, M4b[None, :], score_w, score_b[None, :])
    return score[0]

# --- scband reference (transcript-rebuilt; emitter-appended) ---
"""Pipeline reference for scband-sim-gnn-41085657153916 (READ-ONLY COPY).

The authoritative reference and input builder live on the scoring server;
editing this copy changes nothing except your own understanding.
"""

import jax, jax.numpy as jnp
import numpy as np

N_I = 10000
N_J = 10000
E_I = 320000
E_J = 320000
D = 128
FILTERS = [64, 32, 128]
SLICES = 16
MLP = [32, 16, 8, 4]

def setup_inputs(seed: int = 0):
    key = jax.random.key(seed)
    ks = jax.random.split(key, 32)
    inp = {}
    inp["x_i"] = jax.random.normal(ks[0], (N_I, D), dtype=jnp.float32)
    inp["edge_index_i"] = jax.random.randint(ks[1], (2, E_I), 0, N_I, dtype=jnp.int32)
    inp["x_j"] = jax.random.normal(ks[2], (N_J, D), dtype=jnp.float32)
    inp["edge_index_j"] = jax.random.randint(ks[3], (2, E_J), 0, N_J, dtype=jnp.int32)
    dims = [D] + FILTERS
    k = 4
    for li in range(3):
        inp["W%d" % (li + 1)] = jax.random.normal(ks[k], (dims[li], dims[li + 1]), dtype=jnp.float32) / np.sqrt(dims[li]); k += 1
        inp["b%d" % (li + 1)] = jnp.zeros((dims[li + 1],), dtype=jnp.float32)
    inp["W_att"] = jax.random.normal(ks[k], (D, D), dtype=jnp.float32) / np.sqrt(D); k += 1
    inp["W_ntn"] = jax.random.normal(ks[k], (SLICES, D, D), dtype=jnp.float32) / np.sqrt(D); k += 1
    inp["V_ntn"] = jax.random.normal(ks[k], (SLICES, 2 * D), dtype=jnp.float32) / np.sqrt(2 * D); k += 1
    inp["b_ntn"] = jnp.zeros((SLICES,), dtype=jnp.float32)
    mdims = [SLICES] + MLP
    for li in range(4):
        inp["M%dw" % (li + 1)] = jax.random.normal(ks[k], (mdims[li], mdims[li + 1]), dtype=jnp.float32) / np.sqrt(mdims[li]); k += 1
        inp["M%db" % (li + 1)] = jnp.zeros((mdims[li + 1],), dtype=jnp.float32)
    inp["score_w"] = jax.random.normal(ks[k], (MLP[-1], 1), dtype=jnp.float32) / np.sqrt(MLP[-1]); k += 1
    inp["score_b"] = jnp.zeros((1,), dtype=jnp.float32)
    return inp

def _gcn_conv(x, src, dst, W, b, n):
    h = x @ W
    deg = jnp.zeros((n,), jnp.float32).at[dst].add(1.0)
    dinv = jnp.where(deg > 0, jax.lax.rsqrt(jnp.maximum(deg, 1.0)), 0.0)
    norm = dinv[src] * dinv[dst]
    out = jnp.zeros((n, W.shape[1]), jnp.float32).at[dst].add(h[src] * norm[:, None])
    return out + b

def _gnn(x, ei, n, W1, b1, W2, b2, W3, b3):
    sl = jnp.arange(n, dtype=ei.dtype)
    src = jnp.concatenate([ei[0], sl])
    dst = jnp.concatenate([ei[1], sl])
    x = _gcn_conv(x, src, dst, W1, b1, n)
    x = jax.nn.relu(x)
    x = _gcn_conv(x, src, dst, W2, b2, n)
    x = jax.nn.relu(x)
    x = _gcn_conv(x, src, dst, W3, b3, n)
    return x

def _attention(x, W_att):
    c = jnp.tanh(jnp.mean(x, axis=0) @ W_att)
    a = jax.nn.sigmoid(x @ c)
    return jnp.sum(a[:, None] * x, axis=0)

def _ntn(hi, hj, W_ntn, V_ntn, b_ntn):
    bilinear = jnp.einsum("d,kde,e->k", hi, W_ntn, hj)
    lin = V_ntn @ jnp.concatenate([hi, hj])
    return jnp.tanh(bilinear + lin + b_ntn)

def reference(x_i, edge_index_i, x_j, edge_index_j, W1, b1, W2, b2, W3, b3, W_att, W_ntn, V_ntn, b_ntn, M1w, M1b, M2w, M2b, M3w, M3b, M4w, M4b, score_w, score_b):
    xi = _gnn(x_i, edge_index_i, N_I, W1, b1, W2, b2, W3, b3)
    xj = _gnn(x_j, edge_index_j, N_J, W1, b1, W2, b2, W3, b3)
    hi = _attention(xi, W_att)
    hj = _attention(xj, W_att)
    inter = _ntn(hi, hj, W_ntn, V_ntn, b_ntn)
    for (w, b) in ((M1w, M1b), (M2w, M2b), (M3w, M3b), (M4w, M4b)):
        inter = jax.nn.relu(inter @ w + b)
    return jax.nn.sigmoid(inter @ score_w + score_b)

if __name__ == "__main__":
    import jax
    _d = setup_inputs()
    print(jax.jit(kernel)(*tuple(_d.values())))

</pallas_src>

<mosaic_0001>
#map = affine_map<(d0, d1) -> (0, 0)>
#map1 = affine_map<(d0, d1) -> (0)>
module attributes {stable_mosaic.version = 14 : i64} {
  func.func @k(%arg0: i32, %arg1: i32, %arg2: memref<20000x32xbf16, #tpu.memory_space<hbm>>, %arg3: memref<647168xi32, #tpu.memory_space<hbm>>, %arg4: memref<5056x128xi32, #tpu.memory_space<hbm>>, %arg5: memref<10240x32xbf16, #tpu.memory_space<hbm>>, %arg6: memref<20480x32xbf16, #tpu.memory_space<hbm>>, %arg7: memref<20224xi32, #tpu.memory_space<vmem>>, %arg8: memref<158x128xi32, #tpu.memory_space<vmem>>, %arg9: memref<128x32xbf16, #tpu.memory_space<vmem>>, %arg10: memref<128x32xbf16, #tpu.memory_space<vmem>>, %arg11: memref<10240x32xbf16, #tpu.memory_space<vmem_shared>>, %arg12: memref<!tpu.dma_semaphore, #tpu.memory_space<semaphore_mem>>, %arg13: memref<!tpu.dma_semaphore, #tpu.memory_space<semaphore_mem>>) attributes {dimension_semantics = [#tpu.dimension_semantics<core_parallel>, #tpu.dimension_semantics<subcore_parallel>], iteration_bounds = array<i64: 2, 16>, scalar_prefetch = 0 : i64, scratch_operands = 7 : i64, tpu.core_type = #tpu.core_type<sc_vector_subcore>, window_params = [{transform_indices = #map}, {transform_indices = #map1}, {transform_indices = #map}, {transform_indices = #map}, {transform_indices = #map}]} {
    %mul3A = arith.constant 16 : i32
    %mul3A_0 = arith.muli %arg0, %mul3A : i32
    %add3A = arith.addi %mul3A_0, %arg1 : i32
    %mul3A_1 = arith.constant 20224 : i32
    %mul3A_2 = arith.muli %add3A, %mul3A_1 : i32
    %multiple_of3A = tpu.assume_multiple %mul3A_2, 8 : i32
    "tpu.region"() ({
      %run_scoped3A = tpu.sem_alloc : memref<!tpu.dma_semaphore, #tpu.memory_space<semaphore_mem>>
      %dma_start3A_21 = tpu.memref_slice %arg3[%multiple_of3A] : memref<647168xi32, #tpu.memory_space<hbm>> -> memref<20224xi32, #tpu.memory_space<hbm>>
      %dma_start3A_22 = tpu.memref_slice %arg3[%multiple_of3A] : memref<647168xi32, #tpu.memory_space<hbm>> -> memref<20224xi32, #tpu.memory_space<hbm>>
      tpu.enqueue_dma source(%dma_start3A_22 : memref<20224xi32, #tpu.memory_space<hbm>>) target(%arg7 : memref<20224xi32, #tpu.memory_space<vmem>>) target_semaphore(%run_scoped3A : memref<!tpu.dma_semaphore, #tpu.memory_space<semaphore_mem>>)
      %dma_wait3A = tpu.memref_slice %arg3[%multiple_of3A] : memref<647168xi32, #tpu.memory_space<hbm>> -> memref<20224xi32, #tpu.memory_space<hbm>>
      %dma_wait3A_23 = tpu.memref_slice %arg3[%multiple_of3A] : memref<647168xi32, #tpu.memory_space<hbm>> -> memref<20224xi32, #tpu.memory_space<hbm>>
      tpu.wait_dma2 semaphore(%run_scoped3A : memref<!tpu.dma_semaphore, #tpu.memory_space<semaphore_mem>>) src(%dma_wait3A_23 : memref<20224xi32, #tpu.memory_space<hbm>>) dst(%arg7 : memref<20224xi32, #tpu.memory_space<vmem>>)
      tpu.yield
    }) : () -> ()
    %mul3A_3 = arith.constant 158 : i32
    %mul3A_4 = arith.muli %add3A, %mul3A_3 : i32
    "tpu.region"() ({
      %run_scoped3A = tpu.sem_alloc : memref<!tpu.dma_semaphore, #tpu.memory_space<semaphore_mem>>
      %dma_start3A_21 = arith.constant 0 : i32
      %dma_start3A_22 = tpu.memref_slice %arg4[%mul3A_4, %dma_start3A_21] : memref<5056x128xi32, #tpu.memory_space<hbm>> -> memref<158x128xi32, #tpu.memory_space<hbm>>
      %dma_start3A_23 = arith.constant 0 : i32
      %dma_start3A_24 = tpu.memref_slice %arg4[%mul3A_4, %dma_start3A_23] : memref<5056x128xi32, #tpu.memory_space<hbm>> -> memref<158x128xi32, #tpu.memory_space<hbm>>
      tpu.enqueue_dma source(%dma_start3A_24 : memref<158x128xi32, #tpu.memory_space<hbm>>) target(%arg8 : memref<158x128xi32, #tpu.memory_space<vmem>>) target_semaphore(%run_scoped3A : memref<!tpu.dma_semaphore, #tpu.memory_space<semaphore_mem>>)
      %dma_wait3A = arith.constant 0 : i32
      %dma_wait3A_25 = tpu.memref_slice %arg4[%mul3A_4, %dma_wait3A] : memref<5056x128xi32, #tpu.memory_space<hbm>> -> memref<158x128xi32, #tpu.memory_space<hbm>>
      %dma_wait3A_26 = arith.constant 0 : i32
      %dma_wait3A_27 = tpu.memref_slice %arg4[%mul3A_4, %dma_wait3A_26] : memref<5056x128xi32, #tpu.memory_space<hbm>> -> memref<158x128xi32, #tpu.memory_space<hbm>>
      tpu.wait_dma2 semaphore(%run_scoped3A : memref<!tpu.dma_semaphore, #tpu.memory_space<semaphore_mem>>) src(%dma_wait3A_27 : memref<158x128xi32, #tpu.memory_space<hbm>>) dst(%arg8 : memref<158x128xi32, #tpu.memory_space<vmem>>)
      tpu.yield
    }) : () -> ()
    %mul3A_5 = arith.constant 640 : i32
    %mul3A_6 = arith.muli %arg1, %mul3A_5 : i32
    %multiple_of3A_7 = tpu.assume_multiple %mul3A_6, 8 : i32
    "tpu.region"() ({
      %run_scoped3A = tpu.sem_alloc : memref<!tpu.dma_semaphore, #tpu.memory_space<semaphore_mem>>
      %dma_start3A_21 = arith.constant 0 : i32
      %dma_start3A_22 = tpu.memref_slice %arg11[%multiple_of3A_7, %dma_start3A_21] : memref<10240x32xbf16, #tpu.memory_space<vmem_shared>> -> memref<640x32xbf16, #tpu.memory_space<vmem_shared>>
      %dma_start3A_23 = arith.constant 0 : i32
      %dma_start3A_24 = tpu.memref_slice %arg5[%multiple_of3A_7, %dma_start3A_23] : memref<10240x32xbf16, #tpu.memory_space<hbm>> -> memref<640x32xbf16, #tpu.memory_space<hbm>>
      tpu.enqueue_dma source(%dma_start3A_24 : memref<640x32xbf16, #tpu.memory_space<hbm>>) target(%dma_start3A_22 : memref<640x32xbf16, #tpu.memory_space<vmem_shared>>) target_semaphore(%run_scoped3A : memref<!tpu.dma_semaphore, #tpu.memory_space<semaphore_mem>>)
      %dma_wait3A = arith.constant 0 : i32
      %dma_wait3A_25 = tpu.memref_slice %arg11[%multiple_of3A_7, %dma_wait3A] : memref<10240x32xbf16, #tpu.memory_space<vmem_shared>> -> memref<640x32xbf16, #tpu.memory_space<vmem_shared>>
      %dma_wait3A_26 = arith.constant 0 : i32
      %dma_wait3A_27 = tpu.memref_slice %arg5[%multiple_of3A_7, %dma_wait3A_26] : memref<10240x32xbf16, #tpu.memory_space<hbm>> -> memref<640x32xbf16, #tpu.memory_space<hbm>>
      tpu.wait_dma2 semaphore(%run_scoped3A : memref<!tpu.dma_semaphore, #tpu.memory_space<semaphore_mem>>) src(%dma_wait3A_27 : memref<640x32xbf16, #tpu.memory_space<hbm>>) dst(%dma_wait3A_25 : memref<640x32xbf16, #tpu.memory_space<vmem_shared>>)
      tpu.yield
    }) : () -> ()
    %barrier3A = arith.constant 0 : index
    tpu.barrier barrier_id(%barrier3A)
    %multiple_of3A_8 = arith.constant 0 : i32
    %multiple_of3A_9 = tpu.assume_multiple %multiple_of3A_8, 8 : i32
    %dma_start3A = tpu.memref_slice %arg7[%multiple_of3A_9] : memref<20224xi32, #tpu.memory_space<vmem>> -> memref<128xi32, #tpu.memory_space<vmem>>
    %dma_start3A_10 = arith.constant 0 : i32
    %dma_start3A_11 = arith.constant 0 : i32
    %dma_start3A_12 = tpu.memref_slice %arg2[%dma_start3A_10, %dma_start3A_11] : memref<20000x32xbf16, #tpu.memory_space<hbm>> -> memref<20000x32xbf16, #tpu.memory_space<hbm>>
    tpu.enqueue_indirect_dma source(%dma_start3A_12 : memref<20000x32xbf16, #tpu.memory_space<hbm>>) target(%arg9 : memref<128x32xbf16, #tpu.memory_space<vmem>>) offsets(%dma_start3A : memref<128xi32, #tpu.memory_space<vmem>>) semaphore(%arg12 : memref<!tpu.dma_semaphore, #tpu.memory_space<semaphore_mem>>)
    %scan3A = arith.constant 0 : i32
    %scan3A_13 = arith.constant 79 : i32
    %scan3A_14 = arith.addi %scan3A, %scan3A_13 : i32
    %scan3A_15 = arith.constant 1 : i32
    scf.for %scan3A_21 = %scan3A to %scan3A_14 step %scan3A_15  : i32 {
      %mul3A_22 = arith.constant 2 : i32
      %mul3A_23 = arith.muli %mul3A_22, %scan3A_21 : i32
      %add3A_24 = arith.constant 1 : i32
      %add3A_25 = arith.addi %mul3A_23, %add3A_24 : i32
      %mul3A_26 = arith.constant 128 : i32
      %mul3A_27 = arith.muli %add3A_25, %mul3A_26 : i32
      %multiple_of3A_28 = tpu.assume_multiple %mul3A_27, 8 : i32
      %dma_start3A_29 = tpu.memref_slice %arg7[%multiple_of3A_28] : memref<20224xi32, #tpu.memory_space<vmem>> -> memref<128xi32, #tpu.memory_space<vmem>>
      %dma_start3A_30 = arith.constant 0 : i32
      %dma_start3A_31 = arith.constant 0 : i32
      %dma_start3A_32 = tpu.memref_slice %arg2[%dma_start3A_30, %dma_start3A_31] : memref<20000x32xbf16, #tpu.memory_space<hbm>> -> memref<20000x32xbf16, #tpu.memory_space<hbm>>
      tpu.enqueue_indirect_dma source(%dma_start3A_32 : memref<20000x32xbf16, #tpu.memory_space<hbm>>) target(%arg10 : memref<128x32xbf16, #tpu.memory_space<vmem>>) offsets(%dma_start3A_29 : memref<128xi32, #tpu.memory_space<vmem>>) semaphore(%arg13 : memref<!tpu.dma_semaphore, #tpu.memory_space<semaphore_mem>>)
      %mul3A_33 = arith.constant 128 : i32
      %mul3A_34 = arith.muli %mul3A_23, %mul3A_33 : i32
      %multiple_of3A_35 = tpu.assume_multiple %mul3A_34, 8 : i32
      %dma_wait3A = tpu.memref_slice %arg7[%multiple_of3A_35] : memref<20224xi32, #tpu.memory_space<vmem>> -> memref<128xi32, #tpu.memory_space<vmem>>
      %dma_wait3A_36 = arith.constant 0 : i32
      %dma_wait3A_37 = arith.constant 0 : i32
      %dma_wait3A_38 = tpu.memref_slice %arg2[%dma_wait3A_36, %dma_wait3A_37] : memref<20000x32xbf16, #tpu.memory_space<hbm>> -> memref<20000x32xbf16, #tpu.memory_space<hbm>>
      tpu.wait_indirect_dma semaphore(%arg12 : memref<!tpu.dma_semaphore, #tpu.memory_space<semaphore_mem>>) src(%dma_wait3A_38 : memref<20000x32xbf16, #tpu.memory_space<hbm>>) dst(%arg9 : memref<128x32xbf16, #tpu.memory_space<vmem>>)
      "tpu.region"() ({
        %run_scoped3A = tpu.sem_alloc : memref<!tpu.dma_semaphore, #tpu.memory_space<semaphore_mem>>
        %dma_start3A_52 = arith.constant 0 : i32
        %dma_start3A_53 = tpu.memref_slice %arg8[%mul3A_23, %dma_start3A_52] : memref<158x128xi32, #tpu.memory_space<vmem>> -> memref<1x128xi32, #tpu.memory_space<vmem>>
        %dma_start3A_54 = tpu.memref_squeeze %dma_start3A_53 : memref<1x128xi32, #tpu.memory_space<vmem>> -> memref<128xi32, #tpu.memory_space<vmem>>
        %dma_start3A_55 = arith.constant 0 : i32
        %dma_start3A_56 = arith.constant 0 : i32
        %dma_start3A_57 = tpu.memref_slice %arg11[%dma_start3A_55, %dma_start3A_56] : memref<10240x32xbf16, #tpu.memory_space<vmem_shared>> -> memref<10240x32xbf16, #tpu.memory_space<vmem_shared>>
        tpu.enqueue_indirect_dma source(%arg9 : memref<128x32xbf16, #tpu.memory_space<vmem>>) target(%dma_start3A_57 : memref<10240x32xbf16, #tpu.memory_space<vmem_shared>>) offsets(%dma_start3A_54 : memref<128xi32, #tpu.memory_space<vmem>>) semaphore(%run_scoped3A : memref<!tpu.dma_semaphore, #tpu.memory_space<semaphore_mem>>) {add = true}
        %dma_wait3A_58 = arith.constant 0 : i32
        %dma_wait3A_59 = tpu.memref_slice %arg8[%mul3A_23, %dma_wait3A_58] : memref<158x128xi32, #tpu.memory_space<vmem>> -> memref<1x128xi32, #tpu.memory_space<vmem>>
        %dma_wait3A_60 = tpu.memref_squeeze %dma_wait3A_59 : memref<1x128xi32, #tpu.memory_space<vmem>> -> memref<128xi32, #tpu.memory_space<vmem>>
        %dma_wait3A_61 = arith.constant 0 : i32
        %dma_wait3A_62 = arith.constant 0 : i32
        %dma_wait3A_63 = tpu.memref_slice %arg11[%dma_wait3A_61, %dma_wait3A_62] : memref<10240x32xbf16, #tpu.memory_space<vmem_shared>> -> memref<10240x32xbf16, #tpu.memory_space<vmem_shared>>
        tpu.wait_indirect_dma semaphore(%run_scoped3A : memref<!tpu.dma_semaphore, #tpu.memory_space<semaphore_mem>>) src(%arg9 : memref<128x32xbf16, #tpu.memory_space<vmem>>) dst(%dma_wait3A_63 : memref<10240x32xbf16, #tpu.memory_space<vmem_shared>>)
        tpu.yield
      }) : () -> ()
      %lt3A = arith.constant 78 : i32
      %lt3A_39 = arith.cmpi slt, %scan3A_21, %lt3A : i32
      %convert_element_type3A = arith.extui %lt3A_39 : i1 to i32
      %cond3A = arith.constant 0 : i32
      %cond3A_40 = arith.cmpi ne, %convert_element_type3A, %cond3A : i32
      scf.if %cond3A_40 {
        %add3A_52 = arith.constant 2 : i32
        %add3A_53 = arith.addi %mul3A_23, %add3A_52 : i32
        %mul3A_54 = arith.constant 128 : i32
        %mul3A_55 = arith.muli %add3A_53, %mul3A_54 : i32
        %multiple_of3A_56 = tpu.assume_multiple %mul3A_55, 8 : i32
        %dma_start3A_57 = tpu.memref_slice %arg7[%multiple_of3A_56] : memref<20224xi32, #tpu.memory_space<vmem>> -> memref<128xi32, #tpu.memory_space<vmem>>
        %dma_start3A_58 = arith.constant 0 : i32
        %dma_start3A_59 = arith.constant 0 : i32
        %dma_start3A_60 = tpu.memref_slice %arg2[%dma_start3A_58, %dma_start3A_59] : memref<20000x32xbf16, #tpu.memory_space<hbm>> -> memref<20000x32xbf16, #tpu.memory_space<hbm>>
        tpu.enqueue_indirect_dma source(%dma_start3A_60 : memref<20000x32xbf16, #tpu.memory_space<hbm>>) target(%arg9 : memref<128x32xbf16, #tpu.memory_space<vmem>>) offsets(%dma_start3A_57 : memref<128xi32, #tpu.memory_space<vmem>>) semaphore(%arg12 : memref<!tpu.dma_semaphore, #tpu.memory_space<semaphore_mem>>)
      } else {
      }
      %add3A_41 = arith.constant 1 : i32
      %add3A_42 = arith.addi %mul3A_23, %add3A_41 : i32
      %mul3A_43 = arith.constant 128 : i32
      %mul3A_44 = arith.muli %add3A_42, %mul3A_43 : i32
      %multiple_of3A_45 = tpu.assume_multiple %mul3A_44, 8 : i32
      %dma_wait3A_46 = tpu.memref_slice %arg7[%multiple_of3A_45] : memref<20224xi32, #tpu.memory_space<vmem>> -> memref<128xi32, #tpu.memory_space<vmem>>
      %dma_wait3A_47 = arith.constant 0 : i32
      %dma_wait3A_48 = arith.constant 0 : i32
      %dma_wait3A_49 = tpu.memref_slice %arg2[%dma_wait3A_47, %dma_wait3A_48] : memref<20000x32xbf16, #tpu.memory_space<hbm>> -> memref<20000x32xbf16, #tpu.memory_space<hbm>>
      tpu.wait_indirect_dma semaphore(%arg13 : memref<!tpu.dma_semaphore, #tpu.memory_space<semaphore_mem>>) src(%dma_wait3A_49 : memref<20000x32xbf16, #tpu.memory_space<hbm>>) dst(%arg10 : memref<128x32xbf16, #tpu.memory_space<vmem>>)
      %add3A_50 = arith.constant 1 : i32
      %add3A_51 = arith.addi %mul3A_23, %add3A_50 : i32
      "tpu.region"() ({
        %run_scoped3A = tpu.sem_alloc : memref<!tpu.dma_semaphore, #tpu.memory_space<semaphore_mem>>
        %dma_start3A_52 = arith.constant 0 : i32
        %dma_start3A_53 = tpu.memref_slice %arg8[%add3A_51, %dma_start3A_52] : memref<158x128xi32, #tpu.memory_space<vmem>> -> memref<1x128xi32, #tpu.memory_space<vmem>>
        %dma_start3A_54 = tpu.memref_squeeze %dma_start3A_53 : memref<1x128xi32, #tpu.memory_space<vmem>> -> memref<128xi32, #tpu.memory_space<vmem>>
        %dma_start3A_55 = arith.constant 0 : i32
        %dma_start3A_56 = arith.constant 0 : i32
        %dma_start3A_57 = tpu.memref_slice %arg11[%dma_start3A_55, %dma_start3A_56] : memref<10240x32xbf16, #tpu.memory_space<vmem_shared>> -> memref<10240x32xbf16, #tpu.memory_space<vmem_shared>>
        tpu.enqueue_indirect_dma source(%arg10 : memref<128x32xbf16, #tpu.memory_space<vmem>>) target(%dma_start3A_57 : memref<10240x32xbf16, #tpu.memory_space<vmem_shared>>) offsets(%dma_start3A_54 : memref<128xi32, #tpu.memory_space<vmem>>) semaphore(%run_scoped3A : memref<!tpu.dma_semaphore, #tpu.memory_space<semaphore_mem>>) {add = true}
        %dma_wait3A_58 = arith.constant 0 : i32
        %dma_wait3A_59 = tpu.memref_slice %arg8[%add3A_51, %dma_wait3A_58] : memref<158x128xi32, #tpu.memory_space<vmem>> -> memref<1x128xi32, #tpu.memory_space<vmem>>
        %dma_wait3A_60 = tpu.memref_squeeze %dma_wait3A_59 : memref<1x128xi32, #tpu.memory_space<vmem>> -> memref<128xi32, #tpu.memory_space<vmem>>
        %dma_wait3A_61 = arith.constant 0 : i32
        %dma_wait3A_62 = arith.constant 0 : i32
        %dma_wait3A_63 = tpu.memref_slice %arg11[%dma_wait3A_61, %dma_wait3A_62] : memref<10240x32xbf16, #tpu.memory_space<vmem_shared>> -> memref<10240x32xbf16, #tpu.memory_space<vmem_shared>>
        tpu.wait_indirect_dma semaphore(%run_scoped3A : memref<!tpu.dma_semaphore, #tpu.memory_space<semaphore_mem>>) src(%arg10 : memref<128x32xbf16, #tpu.memory_space<vmem>>) dst(%dma_wait3A_63 : memref<10240x32xbf16, #tpu.memory_space<vmem_shared>>)
        tpu.yield
      }) : () -> ()
    }
    %scan3A_16 = arith.constant 79 : i32
    %barrier3A_17 = arith.constant 0 : index
    tpu.barrier barrier_id(%barrier3A_17)
    %mul3A_18 = arith.constant 10240 : i32
    %mul3A_19 = arith.muli %arg0, %mul3A_18 : i32
    %add3A_20 = arith.addi %mul3A_19, %multiple_of3A_7 : i32
    "tpu.region"() ({
      %run_scoped3A = tpu.sem_alloc : memref<!tpu.dma_semaphore, #tpu.memory_space<semaphore_mem>>
      %dma_start3A_21 = arith.constant 0 : i32
      %dma_start3A_22 = tpu.memref_slice %arg6[%add3A_20, %dma_start3A_21] : memref<20480x32xbf16, #tpu.memory_space<hbm>> -> memref<640x32xbf16, #tpu.memory_space<hbm>>
      %dma_start3A_23 = arith.constant 0 : i32
      %dma_start3A_24 = tpu.memref_slice %arg11[%multiple_of3A_7, %dma_start3A_23] : memref<10240x32xbf16, #tpu.memory_space<vmem_shared>> -> memref<640x32xbf16, #tpu.memory_space<vmem_shared>>
      tpu.enqueue_dma source(%dma_start3A_24 : memref<640x32xbf16, #tpu.memory_space<vmem_shared>>) target(%dma_start3A_22 : memref<640x32xbf16, #tpu.memory_space<hbm>>) target_semaphore(%run_scoped3A : memref<!tpu.dma_semaphore, #tpu.memory_space<semaphore_mem>>)
      %dma_wait3A = arith.constant 0 : i32
      %dma_wait3A_25 = tpu.memref_slice %arg6[%add3A_20, %dma_wait3A] : memref<20480x32xbf16, #tpu.memory_space<hbm>> -> memref<640x32xbf16, #tpu.memory_space<hbm>>
      %dma_wait3A_26 = arith.constant 0 : i32
      %dma_wait3A_27 = tpu.memref_slice %arg11[%multiple_of3A_7, %dma_wait3A_26] : memref<10240x32xbf16, #tpu.memory_space<vmem_shared>> -> memref<640x32xbf16, #tpu.memory_space<vmem_shared>>
      tpu.wait_dma2 semaphore(%run_scoped3A : memref<!tpu.dma_semaphore, #tpu.memory_space<semaphore_mem>>) src(%dma_wait3A_27 : memref<640x32xbf16, #tpu.memory_space<vmem_shared>>) dst(%dma_wait3A_25 : memref<640x32xbf16, #tpu.memory_space<hbm>>)
      tpu.yield
    }) : () -> ()
    return
  }
}

#map = affine_map<(d0, d1) -> (0)>
module attributes {stable_mosaic.version = 14 : i64} {
  func.func @_deg_body(%arg0: i32, %arg1: i32, %arg2: memref<647168xi32, #tpu.memory_space<hbm>>, %arg3: memref<327680xf32, #tpu.memory_space<hbm>>, %arg4: memref<2528xi32, #tpu.memory_space<vmem>>, %arg5: memref<10240xf32, #tpu.memory_space<vmem>>) attributes {dimension_semantics = [#tpu.dimension_semantics<core_parallel>, #tpu.dimension_semantics<subcore_parallel>], iteration_bounds = array<i64: 2, 16>, scalar_prefetch = 0 : i64, scratch_operands = 2 : i64, tpu.core_type = #tpu.core_type<sc_vector_subcore>, window_params = [{transform_indices = #map}, {transform_indices = #map}]} {
    %mul3A = arith.constant 16 : i32
    %mul3A_0 = arith.muli %arg0, %mul3A : i32
    %add3A = arith.addi %mul3A_0, %arg1 : i32
    %broadcast_in_dim3A = arith.constant 0.000000e+00 : f32
    %broadcast_in_dim3A_1 = vector.broadcast %broadcast_in_dim3A : f32 to vector<16xf32>
    %broadcast_in_dim3A_2 = arith.constant 1.000000e+00 : f32
    %broadcast_in_dim3A_3 = vector.broadcast %broadcast_in_dim3A_2 : f32 to vector<16xf32>
    %scan3A = arith.constant 0 : i32
    %scan3A_4 = arith.constant 640 : i32
    %scan3A_5 = arith.addi %scan3A, %scan3A_4 : i32
    %scan3A_6 = arith.constant 1 : i32
    scf.for %scan3A_18 = %scan3A to %scan3A_5 step %scan3A_6  : i32 {
      %mul3A_19 = arith.constant 16 : i32
      %mul3A_20 = arith.muli %scan3A_18, %mul3A_19 : i32
      %multiple_of3A_21 = tpu.assume_multiple %mul3A_20, 16 : i32
      %swap3A = arith.index_cast %multiple_of3A_21 : i32 to index
      %swap3A_22 = tpu.vector_load %arg5[%swap3A] {strides = array<i32>} : memref<10240xf32, #tpu.memory_space<vmem>>, vector<16xf32>,
      tpu.vector_store %arg5[%swap3A], %broadcast_in_dim3A_1 {strides = array<i32>} : memref<10240xf32, #tpu.memory_space<vmem>>, vector<16xf32>,
    }
    %scan3A_7 = arith.constant 640 : i32
    %mul3A_8 = arith.constant 20224 : i32
    %mul3A_9 = arith.muli %add3A, %mul3A_8 : i32
    %multiple_of3A = tpu.assume_multiple %mul3A_9, 8 : i32
    %scan3A_10 = arith.constant 0 : i32
    %scan3A_11 = arith.constant 8 : i32
    %scan3A_12 = arith.addi %scan3A_10, %scan3A_11 : i32
    %scan3A_13 = arith.constant 1 : i32
    scf.for %scan3A_18 = %scan3A_10 to %scan3A_12 step %scan3A_13  : i32 {
      %mul3A_19 = arith.constant 2528 : i32
      %mul3A_20 = arith.muli %scan3A_18, %mul3A_19 : i32
      %add3A_21 = arith.addi %multiple_of3A, %mul3A_20 : i32
      %multiple_of3A_22 = tpu.assume_multiple %add3A_21, 8 : i32
      "tpu.region"() ({
        %run_scoped3A = tpu.sem_alloc : memref<!tpu.dma_semaphore, #tpu.memory_space<semaphore_mem>>
        %dma_start3A = tpu.memref_slice %arg2[%multiple_of3A_22] : memref<647168xi32, #tpu.memory_space<hbm>> -> memref<2528xi32, #tpu.memory_space<hbm>>
        %dma_start3A_28 = tpu.memref_slice %arg2[%multiple_of3A_22] : memref<647168xi32, #tpu.memory_space<hbm>> -> memref<2528xi32, #tpu.memory_space<hbm>>
        tpu.enqueue_dma source(%dma_start3A_28 : memref<2528xi32, #tpu.memory_space<hbm>>) target(%arg4 : memref<2528xi32, #tpu.memory_space<vmem>>) target_semaphore(%run_scoped3A : memref<!tpu.dma_semaphore, #tpu.memory_space<semaphore_mem>>)
        %dma_wait3A = tpu.memref_slice %arg2[%multiple_of3A_22] : memref<647168xi32, #tpu.memory_space<hbm>> -> memref<2528xi32, #tpu.memory_space<hbm>>
        %dma_wait3A_29 = tpu.memref_slice %arg2[%multiple_of3A_22] : memref<647168xi32, #tpu.memory_space<hbm>> -> memref<2528xi32, #tpu.memory_space<hbm>>
        tpu.wait_dma2 semaphore(%run_scoped3A : memref<!tpu.dma_semaphore, #tpu.memory_space<semaphore_mem>>) src(%dma_wait3A_29 : memref<2528xi32, #tpu.memory_space<hbm>>) dst(%arg4 : memref<2528xi32, #tpu.memory_space<vmem>>)
        tpu.yield
      }) : () -> ()
      %scan3A_23 = arith.constant 0 : i32
      %scan3A_24 = arith.constant 158 : i32
      %scan3A_25 = arith.addi %scan3A_23, %scan3A_24 : i32
      %scan3A_26 = arith.constant 1 : i32
      scf.for %scan3A_28 = %scan3A_23 to %scan3A_25 step %scan3A_26  : i32 {
        %mul3A_29 = arith.constant 16 : i32
        %mul3A_30 = arith.muli %scan3A_28, %mul3A_29 : i32
        %multiple_of3A_31 = tpu.assume_multiple %mul3A_30, 16 : i32
        %get3A = arith.index_cast %multiple_of3A_31 : i32 to index
        %get3A_32 = tpu.vector_load %arg4[%get3A] {strides = array<i32>} : memref<2528xi32, #tpu.memory_space<vmem>>, vector<16xi32>,
        tpu.vector_store_idx %arg5[%get3A_32], %broadcast_in_dim3A_3 {add = true} : memref<10240xf32, #tpu.memory_space<vmem>>[vector<16xi32>], vector<16xf32>,
      }
      %scan3A_27 = arith.constant 158 : i32
    }
    %scan3A_14 = arith.constant 8 : i32
    %mul3A_15 = arith.constant 10240 : i32
    %mul3A_16 = arith.muli %add3A, %mul3A_15 : i32
    %multiple_of3A_17 = tpu.assume_multiple %mul3A_16, 8 : i32
    "tpu.region"() ({
      %run_scoped3A = tpu.sem_alloc : memref<!tpu.dma_semaphore, #tpu.memory_space<semaphore_mem>>
      %dma_start3A = tpu.memref_slice %arg3[%multiple_of3A_17] : memref<327680xf32, #tpu.memory_space<hbm>> -> memref<10240xf32, #tpu.memory_space<hbm>>
      %dma_start3A_18 = tpu.memref_slice %arg3[%multiple_of3A_17] : memref<327680xf32, #tpu.memory_space<hbm>> -> memref<10240xf32, #tpu.memory_space<hbm>>
      tpu.enqueue_dma source(%arg5 : memref<10240xf32, #tpu.memory_space<vmem>>) target(%dma_start3A_18 : memref<10240xf32, #tpu.memory_space<hbm>>) target_semaphore(%run_scoped3A : memref<!tpu.dma_semaphore, #tpu.memory_space<semaphore_mem>>)
      %dma_wait3A = tpu.memref_slice %arg3[%multiple_of3A_17] : memref<327680xf32, #tpu.memory_space<hbm>> -> memref<10240xf32, #tpu.memory_space<hbm>>
      %dma_wait3A_19 = tpu.memref_slice %arg3[%multiple_of3A_17] : memref<327680xf32, #tpu.memory_space<hbm>> -> memref<10240xf32, #tpu.memory_space<hbm>>
      tpu.wait_dma2 semaphore(%run_scoped3A : memref<!tpu.dma_semaphore, #tpu.memory_space<semaphore_mem>>) src(%arg5 : memref<10240xf32, #tpu.memory_space<vmem>>) dst(%dma_wait3A_19 : memref<10240xf32, #tpu.memory_space<hbm>>)
      tpu.yield
    }) : () -> ()
    return
  }
}

#map = affine_map<(d0, d1) -> (0, 0)>
#map1 = affine_map<(d0, d1) -> (0)>
module attributes {stable_mosaic.version = 14 : i64} {
  func.func @k(%arg0: i32, %arg1: i32, %arg2: memref<20000x32xbf16, #tpu.memory_space<hbm>>, %arg3: memref<647168xi32, #tpu.memory_space<hbm>>, %arg4: memref<5056x128xi32, #tpu.memory_space<hbm>>, %arg5: memref<10240x32xbf16, #tpu.memory_space<hbm>>, %arg6: memref<20480x32xbf16, #tpu.memory_space<hbm>>, %arg7: memref<20224xi32, #tpu.memory_space<vmem>>, %arg8: memref<158x128xi32, #tpu.memory_space<vmem>>, %arg9: memref<128x32xbf16, #tpu.memory_space<vmem>>, %arg10: memref<128x32xbf16, #tpu.memory_space<vmem>>, %arg11: memref<10240x32xbf16, #tpu.memory_space<vmem_shared>>, %arg12: memref<!tpu.dma_semaphore, #tpu.memory_space<semaphore_mem>>, %arg13: memref<!tpu.dma_semaphore, #tpu.memory_space<semaphore_mem>>) attributes {dimension_semantics = [#tpu.dimension_semantics<core_parallel>, #tpu.dimension_semantics<subcore_parallel>], iteration_bounds = array<i64: 2, 16>, scalar_prefetch = 0 : i64, scratch_operands = 7 : i64, tpu.core_type = #tpu.core_type<sc_vector_subcore>, window_params = [{transform_indices = #map}, {transform_indices = #map1}, {transform_indices = #map}, {transform_indices = #map}, {transform_indices = #map}]} {
    %mul3A = arith.constant 16 : i32
    %mul3A_0 = arith.muli %arg0, %mul3A : i32
    %add3A = arith.addi %mul3A_0, %arg1 : i32
    %mul3A_1 = arith.constant 20224 : i32
    %mul3A_2 = arith.muli %add3A, %mul3A_1 : i32
    %multiple_of3A = tpu.assume_multiple %mul3A_2, 8 : i32
    "tpu.region"() ({
      %run_scoped3A = tpu.sem_alloc : memref<!tpu.dma_semaphore, #tpu.memory_space<semaphore_mem>>
      %dma_start3A_21 = tpu.memref_slice %arg3[%multiple_of3A] : memref<647168xi32, #tpu.memory_space<hbm>> -> memref<20224xi32, #tpu.memory_space<hbm>>
      %dma_start3A_22 = tpu.memref_slice %arg3[%multiple_of3A] : memref<647168xi32, #tpu.memory_space<hbm>> -> memref<20224xi32, #tpu.memory_space<hbm>>
      tpu.enqueue_dma source(%dma_start3A_22 : memref<20224xi32, #tpu.memory_space<hbm>>) target(%arg7 : memref<20224xi32, #tpu.memory_space<vmem>>) target_semaphore(%run_scoped3A : memref<!tpu.dma_semaphore, #tpu.memory_space<semaphore_mem>>)
      %dma_wait3A = tpu.memref_slice %arg3[%multiple_of3A] : memref<647168xi32, #tpu.memory_space<hbm>> -> memref<20224xi32, #tpu.memory_space<hbm>>
      %dma_wait3A_23 = tpu.memref_slice %arg3[%multiple_of3A] : memref<647168xi32, #tpu.memory_space<hbm>> -> memref<20224xi32, #tpu.memory_space<hbm>>
      tpu.wait_dma2 semaphore(%run_scoped3A : memref<!tpu.dma_semaphore, #tpu.memory_space<semaphore_mem>>) src(%dma_wait3A_23 : memref<20224xi32, #tpu.memory_space<hbm>>) dst(%arg7 : memref<20224xi32, #tpu.memory_space<vmem>>)
      tpu.yield
    }) : () -> ()
    %mul3A_3 = arith.constant 158 : i32
    %mul3A_4 = arith.muli %add3A, %mul3A_3 : i32
    "tpu.region"() ({
      %run_scoped3A = tpu.sem_alloc : memref<!tpu.dma_semaphore, #tpu.memory_space<semaphore_mem>>
      %dma_start3A_21 = arith.constant 0 : i32
      %dma_start3A_22 = tpu.memref_slice %arg4[%mul3A_4, %dma_start3A_21] : memref<5056x128xi32, #tpu.memory_space<hbm>> -> memref<158x128xi32, #tpu.memory_space<hbm>>
      %dma_start3A_23 = arith.constant 0 : i32
      %dma_start3A_24 = tpu.memref_slice %arg4[%mul3A_4, %dma_start3A_23] : memref<5056x128xi32, #tpu.memory_space<hbm>> -> memref<158x128xi32, #tpu.memory_space<hbm>>
      tpu.enqueue_dma source(%dma_start3A_24 : memref<158x128xi32, #tpu.memory_space<hbm>>) target(%arg8 : memref<158x128xi32, #tpu.memory_space<vmem>>) target_semaphore(%run_scoped3A : memref<!tpu.dma_semaphore, #tpu.memory_space<semaphore_mem>>)
      %dma_wait3A = arith.constant 0 : i32
      %dma_wait3A_25 = tpu.memref_slice %arg4[%mul3A_4, %dma_wait3A] : memref<5056x128xi32, #tpu.memory_space<hbm>> -> memref<158x128xi32, #tpu.memory_space<hbm>>
      %dma_wait3A_26 = arith.constant 0 : i32
      %dma_wait3A_27 = tpu.memref_slice %arg4[%mul3A_4, %dma_wait3A_26] : memref<5056x128xi32, #tpu.memory_space<hbm>> -> memref<158x128xi32, #tpu.memory_space<hbm>>
      tpu.wait_dma2 semaphore(%run_scoped3A : memref<!tpu.dma_semaphore, #tpu.memory_space<semaphore_mem>>) src(%dma_wait3A_27 : memref<158x128xi32, #tpu.memory_space<hbm>>) dst(%arg8 : memref<158x128xi32, #tpu.memory_space<vmem>>)
      tpu.yield
    }) : () -> ()
    %mul3A_5 = arith.constant 640 : i32
    %mul3A_6 = arith.muli %arg1, %mul3A_5 : i32
    %multiple_of3A_7 = tpu.assume_multiple %mul3A_6, 8 : i32
    "tpu.region"() ({
      %run_scoped3A = tpu.sem_alloc : memref<!tpu.dma_semaphore, #tpu.memory_space<semaphore_mem>>
      %dma_start3A_21 = arith.constant 0 : i32
      %dma_start3A_22 = tpu.memref_slice %arg11[%multiple_of3A_7, %dma_start3A_21] : memref<10240x32xbf16, #tpu.memory_space<vmem_shared>> -> memref<640x32xbf16, #tpu.memory_space<vmem_shared>>
      %dma_start3A_23 = arith.constant 0 : i32
      %dma_start3A_24 = tpu.memref_slice %arg5[%multiple_of3A_7, %dma_start3A_23] : memref<10240x32xbf16, #tpu.memory_space<hbm>> -> memref<640x32xbf16, #tpu.memory_space<hbm>>
      tpu.enqueue_dma source(%dma_start3A_24 : memref<640x32xbf16, #tpu.memory_space<hbm>>) target(%dma_start3A_22 : memref<640x32xbf16, #tpu.memory_space<vmem_shared>>) target_semaphore(%run_scoped3A : memref<!tpu.dma_semaphore, #tpu.memory_space<semaphore_mem>>)
      %dma_wait3A = arith.constant 0 : i32
      %dma_wait3A_25 = tpu.memref_slice %arg11[%multiple_of3A_7, %dma_wait3A] : memref<10240x32xbf16, #tpu.memory_space<vmem_shared>> -> memref<640x32xbf16, #tpu.memory_space<vmem_shared>>
      %dma_wait3A_26 = arith.constant 0 : i32
      %dma_wait3A_27 = tpu.memref_slice %arg5[%multiple_of3A_7, %dma_wait3A_26] : memref<10240x32xbf16, #tpu.memory_space<hbm>> -> memref<640x32xbf16, #tpu.memory_space<hbm>>
      tpu.wait_dma2 semaphore(%run_scoped3A : memref<!tpu.dma_semaphore, #tpu.memory_space<semaphore_mem>>) src(%dma_wait3A_27 : memref<640x32xbf16, #tpu.memory_space<hbm>>) dst(%dma_wait3A_25 : memref<640x32xbf16, #tpu.memory_space<vmem_shared>>)
      tpu.yield
    }) : () -> ()
    %barrier3A = arith.constant 0 : index
    tpu.barrier barrier_id(%barrier3A)
    %multiple_of3A_8 = arith.constant 0 : i32
    %multiple_of3A_9 = tpu.assume_multiple %multiple_of3A_8, 8 : i32
    %dma_start3A = tpu.memref_slice %arg7[%multiple_of3A_9] : memref<20224xi32, #tpu.memory_space<vmem>> -> memref<128xi32, #tpu.memory_space<vmem>>
    %dma_start3A_10 = arith.constant 0 : i32
    %dma_start3A_11 = arith.constant 0 : i32
    %dma_start3A_12 = tpu.memref_slice %arg2[%dma_start3A_10, %dma_start3A_11] : memref<20000x32xbf16, #tpu.memory_space<hbm>> -> memref<20000x32xbf16, #tpu.memory_space<hbm>>
    tpu.enqueue_indirect_dma source(%dma_start3A_12 : memref<20000x32xbf16, #tpu.memory_space<hbm>>) target(%arg9 : memref<128x32xbf16, #tpu.memory_space<vmem>>) offsets(%dma_start3A : memref<128xi32, #tpu.memory_space<vmem>>) semaphore(%arg12 : memref<!tpu.dma_semaphore, #tpu.memory_space<semaphore_mem>>)
    %scan3A = arith.constant 0 : i32
    %scan3A_13 = arith.constant 79 : i32
    %scan3A_14 = arith.addi %scan3A, %scan3A_13 : i32
    %scan3A_15 = arith.constant 1 : i32
    scf.for %scan3A_21 = %scan3A to %scan3A_14 step %scan3A_15  : i32 {
      %mul3A_22 = arith.constant 2 : i32
      %mul3A_23 = arith.muli %mul3A_22, %scan3A_21 : i32
      %add3A_24 = arith.constant 1 : i32
      %add3A_25 = arith.addi %mul3A_23, %add3A_24 : i32
      %mul3A_26 = arith.constant 128 : i32
      %mul3A_27 = arith.muli %add3A_25, %mul3A_26 : i32
      %multiple_of3A_28 = tpu.assume_multiple %mul3A_27, 8 : i32
      %dma_start3A_29 = tpu.memref_slice %arg7[%multiple_of3A_28] : memref<20224xi32, #tpu.memory_space<vmem>> -> memref<128xi32, #tpu.memory_space<vmem>>
      %dma_start3A_30 = arith.constant 0 : i32
      %dma_start3A_31 = arith.constant 0 : i32
      %dma_start3A_32 = tpu.memref_slice %arg2[%dma_start3A_30, %dma_start3A_31] : memref<20000x32xbf16, #tpu.memory_space<hbm>> -> memref<20000x32xbf16, #tpu.memory_space<hbm>>
      tpu.enqueue_indirect_dma source(%dma_start3A_32 : memref<20000x32xbf16, #tpu.memory_space<hbm>>) target(%arg10 : memref<128x32xbf16, #tpu.memory_space<vmem>>) offsets(%dma_start3A_29 : memref<128xi32, #tpu.memory_space<vmem>>) semaphore(%arg13 : memref<!tpu.dma_semaphore, #tpu.memory_space<semaphore_mem>>)
      %mul3A_33 = arith.constant 128 : i32
      %mul3A_34 = arith.muli %mul3A_23, %mul3A_33 : i32
      %multiple_of3A_35 = tpu.assume_multiple %mul3A_34, 8 : i32
      %dma_wait3A = tpu.memref_slice %arg7[%multiple_of3A_35] : memref<20224xi32, #tpu.memory_space<vmem>> -> memref<128xi32, #tpu.memory_space<vmem>>
      %dma_wait3A_36 = arith.constant 0 : i32
      %dma_wait3A_37 = arith.constant 0 : i32
      %dma_wait3A_38 = tpu.memref_slice %arg2[%dma_wait3A_36, %dma_wait3A_37] : memref<20000x32xbf16, #tpu.memory_space<hbm>> -> memref<20000x32xbf16, #tpu.memory_space<hbm>>
      tpu.wait_indirect_dma semaphore(%arg12 : memref<!tpu.dma_semaphore, #tpu.memory_space<semaphore_mem>>) src(%dma_wait3A_38 : memref<20000x32xbf16, #tpu.memory_space<hbm>>) dst(%arg9 : memref<128x32xbf16, #tpu.memory_space<vmem>>)
      "tpu.region"() ({
        %run_scoped3A = tpu.sem_alloc : memref<!tpu.dma_semaphore, #tpu.memory_space<semaphore_mem>>
        %dma_start3A_52 = arith.constant 0 : i32
        %dma_start3A_53 = tpu.memref_slice %arg8[%mul3A_23, %dma_start3A_52] : memref<158x128xi32, #tpu.memory_space<vmem>> -> memref<1x128xi32, #tpu.memory_space<vmem>>
        %dma_start3A_54 = tpu.memref_squeeze %dma_start3A_53 : memref<1x128xi32, #tpu.memory_space<vmem>> -> memref<128xi32, #tpu.memory_space<vmem>>
        %dma_start3A_55 = arith.constant 0 : i32
        %dma_start3A_56 = arith.constant 0 : i32
        %dma_start3A_57 = tpu.memref_slice %arg11[%dma_start3A_55, %dma_start3A_56] : memref<10240x32xbf16, #tpu.memory_space<vmem_shared>> -> memref<10240x32xbf16, #tpu.memory_space<vmem_shared>>
        tpu.enqueue_indirect_dma source(%arg9 : memref<128x32xbf16, #tpu.memory_space<vmem>>) target(%dma_start3A_57 : memref<10240x32xbf16, #tpu.memory_space<vmem_shared>>) offsets(%dma_start3A_54 : memref<128xi32, #tpu.memory_space<vmem>>) semaphore(%run_scoped3A : memref<!tpu.dma_semaphore, #tpu.memory_space<semaphore_mem>>) {add = true}
        %dma_wait3A_58 = arith.constant 0 : i32
        %dma_wait3A_59 = tpu.memref_slice %arg8[%mul3A_23, %dma_wait3A_58] : memref<158x128xi32, #tpu.memory_space<vmem>> -> memref<1x128xi32, #tpu.memory_space<vmem>>
        %dma_wait3A_60 = tpu.memref_squeeze %dma_wait3A_59 : memref<1x128xi32, #tpu.memory_space<vmem>> -> memref<128xi32, #tpu.memory_space<vmem>>
        %dma_wait3A_61 = arith.constant 0 : i32
        %dma_wait3A_62 = arith.constant 0 : i32
        %dma_wait3A_63 = tpu.memref_slice %arg11[%dma_wait3A_61, %dma_wait3A_62] : memref<10240x32xbf16, #tpu.memory_space<vmem_shared>> -> memref<10240x32xbf16, #tpu.memory_space<vmem_shared>>
        tpu.wait_indirect_dma semaphore(%run_scoped3A : memref<!tpu.dma_semaphore, #tpu.memory_space<semaphore_mem>>) src(%arg9 : memref<128x32xbf16, #tpu.memory_space<vmem>>) dst(%dma_wait3A_63 : memref<10240x32xbf16, #tpu.memory_space<vmem_shared>>)
        tpu.yield
      }) : () -> ()
      %lt3A = arith.constant 78 : i32
      %lt3A_39 = arith.cmpi slt, %scan3A_21, %lt3A : i32
      %convert_element_type3A = arith.extui %lt3A_39 : i1 to i32
      %cond3A = arith.constant 0 : i32
      %cond3A_40 = arith.cmpi ne, %convert_element_type3A, %cond3A : i32
      scf.if %cond3A_40 {
        %add3A_52 = arith.constant 2 : i32
        %add3A_53 = arith.addi %mul3A_23, %add3A_52 : i32
        %mul3A_54 = arith.constant 128 : i32
        %mul3A_55 = arith.muli %add3A_53, %mul3A_54 : i32
        %multiple_of3A_56 = tpu.assume_multiple %mul3A_55, 8 : i32
        %dma_start3A_57 = tpu.memref_slice %arg7[%multiple_of3A_56] : memref<20224xi32, #tpu.memory_space<vmem>> -> memref<128xi32, #tpu.memory_space<vmem>>
        %dma_start3A_58 = arith.constant 0 : i32
        %dma_start3A_59 = arith.constant 0 : i32
        %dma_start3A_60 = tpu.memref_slice %arg2[%dma_start3A_58, %dma_start3A_59] : memref<20000x32xbf16, #tpu.memory_space<hbm>> -> memref<20000x32xbf16, #tpu.memory_space<hbm>>
        tpu.enqueue_indirect_dma source(%dma_start3A_60 : memref<20000x32xbf16, #tpu.memory_space<hbm>>) target(%arg9 : memref<128x32xbf16, #tpu.memory_space<vmem>>) offsets(%dma_start3A_57 : memref<128xi32, #tpu.memory_space<vmem>>) semaphore(%arg12 : memref<!tpu.dma_semaphore, #tpu.memory_space<semaphore_mem>>)
      } else {
      }
      %add3A_41 = arith.constant 1 : i32
      %add3A_42 = arith.addi %mul3A_23, %add3A_41 : i32
      %mul3A_43 = arith.constant 128 : i32
      %mul3A_44 = arith.muli %add3A_42, %mul3A_43 : i32
      %multiple_of3A_45 = tpu.assume_multiple %mul3A_44, 8 : i32
      %dma_wait3A_46 = tpu.memref_slice %arg7[%multiple_of3A_45] : memref<20224xi32, #tpu.memory_space<vmem>> -> memref<128xi32, #tpu.memory_space<vmem>>
      %dma_wait3A_47 = arith.constant 0 : i32
      %dma_wait3A_48 = arith.constant 0 : i32
      %dma_wait3A_49 = tpu.memref_slice %arg2[%dma_wait3A_47, %dma_wait3A_48] : memref<20000x32xbf16, #tpu.memory_space<hbm>> -> memref<20000x32xbf16, #tpu.memory_space<hbm>>
      tpu.wait_indirect_dma semaphore(%arg13 : memref<!tpu.dma_semaphore, #tpu.memory_space<semaphore_mem>>) src(%dma_wait3A_49 : memref<20000x32xbf16, #tpu.memory_space<hbm>>) dst(%arg10 : memref<128x32xbf16, #tpu.memory_space<vmem>>)
      %add3A_50 = arith.constant 1 : i32
      %add3A_51 = arith.addi %mul3A_23, %add3A_50 : i32
      "tpu.region"() ({
        %run_scoped3A = tpu.sem_alloc : memref<!tpu.dma_semaphore, #tpu.memory_space<semaphore_mem>>
        %dma_start3A_52 = arith.constant 0 : i32
        %dma_start3A_53 = tpu.memref_slice %arg8[%add3A_51, %dma_start3A_52] : memref<158x128xi32, #tpu.memory_space<vmem>> -> memref<1x128xi32, #tpu.memory_space<vmem>>
        %dma_start3A_54 = tpu.memref_squeeze %dma_start3A_53 : memref<1x128xi32, #tpu.memory_space<vmem>> -> memref<128xi32, #tpu.memory_space<vmem>>
        %dma_start3A_55 = arith.constant 0 : i32
        %dma_start3A_56 = arith.constant 0 : i32
        %dma_start3A_57 = tpu.memref_slice %arg11[%dma_start3A_55, %dma_start3A_56] : memref<10240x32xbf16, #tpu.memory_space<vmem_shared>> -> memref<10240x32xbf16, #tpu.memory_space<vmem_shared>>
        tpu.enqueue_indirect_dma source(%arg10 : memref<128x32xbf16, #tpu.memory_space<vmem>>) target(%dma_start3A_57 : memref<10240x32xbf16, #tpu.memory_space<vmem_shared>>) offsets(%dma_start3A_54 : memref<128xi32, #tpu.memory_space<vmem>>) semaphore(%run_scoped3A : memref<!tpu.dma_semaphore, #tpu.memory_space<semaphore_mem>>) {add = true}
        %dma_wait3A_58 = arith.constant 0 : i32
        %dma_wait3A_59 = tpu.memref_slice %arg8[%add3A_51, %dma_wait3A_58] : memref<158x128xi32, #tpu.memory_space<vmem>> -> memref<1x128xi32, #tpu.memory_space<vmem>>
        %dma_wait3A_60 = tpu.memref_squeeze %dma_wait3A_59 : memref<1x128xi32, #tpu.memory_space<vmem>> -> memref<128xi32, #tpu.memory_space<vmem>>
        %dma_wait3A_61 = arith.constant 0 : i32
        %dma_wait3A_62 = arith.constant 0 : i32
        %dma_wait3A_63 = tpu.memref_slice %arg11[%dma_wait3A_61, %dma_wait3A_62] : memref<10240x32xbf16, #tpu.memory_space<vmem_shared>> -> memref<10240x32xbf16, #tpu.memory_space<vmem_shared>>
        tpu.wait_indirect_dma semaphore(%run_scoped3A : memref<!tpu.dma_semaphore, #tpu.memory_space<semaphore_mem>>) src(%arg10 : memref<128x32xbf16, #tpu.memory_space<vmem>>) dst(%dma_wait3A_63 : memref<10240x32xbf16, #tpu.memory_space<vmem_shared>>)
        tpu.yield
      }) : () -> ()
    }
    %scan3A_16 = arith.constant 79 : i32
    %barrier3A_17 = arith.constant 0 : index
    tpu.barrier barrier_id(%barrier3A_17)
    %mul3A_18 = arith.constant 10240 : i32
    %mul3A_19 = arith.muli %arg0, %mul3A_18 : i32
    %add3A_20 = arith.addi %mul3A_19, %multiple_of3A_7 : i32
    "tpu.region"() ({
      %run_scoped3A = tpu.sem_alloc : memref<!tpu.dma_semaphore, #tpu.memory_space<semaphore_mem>>
      %dma_start3A_21 = arith.constant 0 : i32
      %dma_start3A_22 = tpu.memref_slice %arg6[%add3A_20, %dma_start3A_21] : memref<20480x32xbf16, #tpu.memory_space<hbm>> -> memref<640x32xbf16, #tpu.memory_space<hbm>>
      %dma_start3A_23 = arith.constant 0 : i32
      %dma_start3A_24 = tpu.memref_slice %arg11[%multiple_of3A_7, %dma_start3A_23] : memref<10240x32xbf16, #tpu.memory_space<vmem_shared>> -> memref<640x32xbf16, #tpu.memory_space<vmem_shared>>
      tpu.enqueue_dma source(%dma_start3A_24 : memref<640x32xbf16, #tpu.memory_space<vmem_shared>>) target(%dma_start3A_22 : memref<640x32xbf16, #tpu.memory_space<hbm>>) target_semaphore(%run_scoped3A : memref<!tpu.dma_semaphore, #tpu.memory_space<semaphore_mem>>)
      %dma_wait3A = arith.constant 0 : i32
      %dma_wait3A_25 = tpu.memref_slice %arg6[%add3A_20, %dma_wait3A] : memref<20480x32xbf16, #tpu.memory_space<hbm>> -> memref<640x32xbf16, #tpu.memory_space<hbm>>
      %dma_wait3A_26 = arith.constant 0 : i32
      %dma_wait3A_27 = tpu.memref_slice %arg11[%multiple_of3A_7, %dma_wait3A_26] : memref<10240x32xbf16, #tpu.memory_space<vmem_shared>> -> memref<640x32xbf16, #tpu.memory_space<vmem_shared>>
      tpu.wait_dma2 semaphore(%run_scoped3A : memref<!tpu.dma_semaphore, #tpu.memory_space<semaphore_mem>>) src(%dma_wait3A_27 : memref<640x32xbf16, #tpu.memory_space<vmem_shared>>) dst(%dma_wait3A_25 : memref<640x32xbf16, #tpu.memory_space<hbm>>)
      tpu.yield
    }) : () -> ()
    return
  }
}

#map = affine_map<(d0, d1) -> (0, 0)>
#map1 = affine_map<(d0, d1) -> (0)>
module attributes {stable_mosaic.version = 14 : i64} {
  func.func @k(%arg0: i32, %arg1: i32, %arg2: memref<20000x64xbf16, #tpu.memory_space<hbm>>, %arg3: memref<647168xi32, #tpu.memory_space<hbm>>, %arg4: memref<5056x128xi32, #tpu.memory_space<hbm>>, %arg5: memref<10240x64xbf16, #tpu.memory_space<hbm>>, %arg6: memref<20480x64xbf16, #tpu.memory_space<hbm>>, %arg7: memref<20224xi32, #tpu.memory_space<vmem>>, %arg8: memref<158x128xi32, #tpu.memory_space<vmem>>, %arg9: memref<128x64xbf16, #tpu.memory_space<vmem>>, %arg10: memref<128x64xbf16, #tpu.memory_space<vmem>>, %arg11: memref<10240x64xbf16, #tpu.memory_space<vmem_shared>>, %arg12: memref<!tpu.dma_semaphore, #tpu.memory_space<semaphore_mem>>, %arg13: memref<!tpu.dma_semaphore, #tpu.memory_space<semaphore_mem>>) attributes {dimension_semantics = [#tpu.dimension_semantics<core_parallel>, #tpu.dimension_semantics<subcore_parallel>], iteration_bounds = array<i64: 2, 16>, scalar_prefetch = 0 : i64, scratch_operands = 7 : i64, tpu.core_type = #tpu.core_type<sc_vector_subcore>, window_params = [{transform_indices = #map}, {transform_indices = #map1}, {transform_indices = #map}, {transform_indices = #map}, {transform_indices = #map}]} {
    %mul3A = arith.constant 16 : i32
    %mul3A_0 = arith.muli %arg0, %mul3A : i32
    %add3A = arith.addi %mul3A_0, %arg1 : i32
    %mul3A_1 = arith.constant 20224 : i32
    %mul3A_2 = arith.muli %add3A, %mul3A_1 : i32
    %multiple_of3A = tpu.assume_multiple %mul3A_2, 8 : i32
    "tpu.region"() ({
      %run_scoped3A = tpu.sem_alloc : memref<!tpu.dma_semaphore, #tpu.memory_space<semaphore_mem>>
      %dma_start3A_21 = tpu.memref_slice %arg3[%multiple_of3A] : memref<647168xi32, #tpu.memory_space<hbm>> -> memref<20224xi32, #tpu.memory_space<hbm>>
      %dma_start3A_22 = tpu.memref_slice %arg3[%multiple_of3A] : memref<647168xi32, #tpu.memory_space<hbm>> -> memref<20224xi32, #tpu.memory_space<hbm>>
      tpu.enqueue_dma source(%dma_start3A_22 : memref<20224xi32, #tpu.memory_space<hbm>>) target(%arg7 : memref<20224xi32, #tpu.memory_space<vmem>>) target_semaphore(%run_scoped3A : memref<!tpu.dma_semaphore, #tpu.memory_space<semaphore_mem>>)
      %dma_wait3A = tpu.memref_slice %arg3[%multiple_of3A] : memref<647168xi32, #tpu.memory_space<hbm>> -> memref<20224xi32, #tpu.memory_space<hbm>>
      %dma_wait3A_23 = tpu.memref_slice %arg3[%multiple_of3A] : memref<647168xi32, #tpu.memory_space<hbm>> -> memref<20224xi32, #tpu.memory_space<hbm>>
      tpu.wait_dma2 semaphore(%run_scoped3A : memref<!tpu.dma_semaphore, #tpu.memory_space<semaphore_mem>>) src(%dma_wait3A_23 : memref<20224xi32, #tpu.memory_space<hbm>>) dst(%arg7 : memref<20224xi32, #tpu.memory_space<vmem>>)
      tpu.yield
    }) : () -> ()
    %mul3A_3 = arith.constant 158 : i32
    %mul3A_4 = arith.muli %add3A, %mul3A_3 : i32
    "tpu.region"() ({
      %run_scoped3A = tpu.sem_alloc : memref<!tpu.dma_semaphore, #tpu.memory_space<semaphore_mem>>
      %dma_start3A_21 = arith.constant 0 : i32
      %dma_start3A_22 = tpu.memref_slice %arg4[%mul3A_4, %dma_start3A_21] : memref<5056x128xi32, #tpu.memory_space<hbm>> -> memref<158x128xi32, #tpu.memory_space<hbm>>
      %dma_start3A_23 = arith.constant 0 : i32
      %dma_start3A_24 = tpu.memref_slice %arg4[%mul3A_4, %dma_start3A_23] : memref<5056x128xi32, #tpu.memory_space<hbm>> -> memref<158x128xi32, #tpu.memory_space<hbm>>
      tpu.enqueue_dma source(%dma_start3A_24 : memref<158x128xi32, #tpu.memory_space<hbm>>) target(%arg8 : memref<158x128xi32, #tpu.memory_space<vmem>>) target_semaphore(%run_scoped3A : memref<!tpu.dma_semaphore, #tpu.memory_space<semaphore_mem>>)
      %dma_wait3A = arith.constant 0 : i32
      %dma_wait3A_25 = tpu.memref_slice %arg4[%mul3A_4, %dma_wait3A] : memref<5056x128xi32, #tpu.memory_space<hbm>> -> memref<158x128xi32, #tpu.memory_space<hbm>>
      %dma_wait3A_26 = arith.constant 0 : i32
      %dma_wait3A_27 = tpu.memref_slice %arg4[%mul3A_4, %dma_wait3A_26] : memref<5056x128xi32, #tpu.memory_space<hbm>> -> memref<158x128xi32, #tpu.memory_space<hbm>>
      tpu.wait_dma2 semaphore(%run_scoped3A : memref<!tpu.dma_semaphore, #tpu.memory_space<semaphore_mem>>) src(%dma_wait3A_27 : memref<158x128xi32, #tpu.memory_space<hbm>>) dst(%arg8 : memref<158x128xi32, #tpu.memory_space<vmem>>)
      tpu.yield
    }) : () -> ()
    %mul3A_5 = arith.constant 640 : i32
    %mul3A_6 = arith.muli %arg1, %mul3A_5 : i32
    %multiple_of3A_7 = tpu.assume_multiple %mul3A_6, 8 : i32
    "tpu.region"() ({
      %run_scoped3A = tpu.sem_alloc : memref<!tpu.dma_semaphore, #tpu.memory_space<semaphore_mem>>
      %dma_start3A_21 = arith.constant 0 : i32
      %dma_start3A_22 = tpu.memref_slice %arg11[%multiple_of3A_7, %dma_start3A_21] : memref<10240x64xbf16, #tpu.memory_space<vmem_shared>> -> memref<640x64xbf16, #tpu.memory_space<vmem_shared>>
      %dma_start3A_23 = arith.constant 0 : i32
      %dma_start3A_24 = tpu.memref_slice %arg5[%multiple_of3A_7, %dma_start3A_23] : memref<10240x64xbf16, #tpu.memory_space<hbm>> -> memref<640x64xbf16, #tpu.memory_space<hbm>>
      tpu.enqueue_dma source(%dma_start3A_24 : memref<640x64xbf16, #tpu.memory_space<hbm>>) target(%dma_start3A_22 : memref<640x64xbf16, #tpu.memory_space<vmem_shared>>) target_semaphore(%run_scoped3A : memref<!tpu.dma_semaphore, #tpu.memory_space<semaphore_mem>>)
      %dma_wait3A = arith.constant 0 : i32
      %dma_wait3A_25 = tpu.memref_slice %arg11[%multiple_of3A_7, %dma_wait3A] : memref<10240x64xbf16, #tpu.memory_space<vmem_shared>> -> memref<640x64xbf16, #tpu.memory_space<vmem_shared>>
      %dma_wait3A_26 = arith.constant 0 : i32
      %dma_wait3A_27 = tpu.memref_slice %arg5[%multiple_of3A_7, %dma_wait3A_26] : memref<10240x64xbf16, #tpu.memory_space<hbm>> -> memref<640x64xbf16, #tpu.memory_space<hbm>>
      tpu.wait_dma2 semaphore(%run_scoped3A : memref<!tpu.dma_semaphore, #tpu.memory_space<semaphore_mem>>) src(%dma_wait3A_27 : memref<640x64xbf16, #tpu.memory_space<hbm>>) dst(%dma_wait3A_25 : memref<640x64xbf16, #tpu.memory_space<vmem_shared>>)
      tpu.yield
    }) : () -> ()
    %barrier3A = arith.constant 0 : index
    tpu.barrier barrier_id(%barrier3A)
    %multiple_of3A_8 = arith.constant 0 : i32
    %multiple_of3A_9 = tpu.assume_multiple %multiple_of3A_8, 8 : i32
    %dma_start3A = tpu.memref_slice %arg7[%multiple_of3A_9] : memref<20224xi32, #tpu.memory_space<vmem>> -> memref<128xi32, #tpu.memory_space<vmem>>
    %dma_start3A_10 = arith.constant 0 : i32
    %dma_start3A_11 = arith.constant 0 : i32
    %dma_start3A_12 = tpu.memref_slice %arg2[%dma_start3A_10, %dma_start3A_11] : memref<20000x64xbf16, #tpu.memory_space<hbm>> -> memref<20000x64xbf16, #tpu.memory_space<hbm>>
    tpu.enqueue_indirect_dma source(%dma_start3A_12 : memref<20000x64xbf16, #tpu.memory_space<hbm>>) target(%arg9 : memref<128x64xbf16, #tpu.memory_space<vmem>>) offsets(%dma_start3A : memref<128xi32, #tpu.memory_space<vmem>>) semaphore(%arg12 : memref<!tpu.dma_semaphore, #tpu.memory_space<semaphore_mem>>)
    %scan3A = arith.constant 0 : i32
    %scan3A_13 = arith.constant 79 : i32
    %scan3A_14 = arith.addi %scan3A, %scan3A_13 : i32
    %scan3A_15 = arith.constant 1 : i32
    scf.for %scan3A_21 = %scan3A to %scan3A_14 step %scan3A_15  : i32 {
      %mul3A_22 = arith.constant 2 : i32
      %mul3A_23 = arith.muli %mul3A_22, %scan3A_21 : i32
      %add3A_24 = arith.constant 1 : i32
      %add3A_25 = arith.addi %mul3A_23, %add3A_24 : i32
      %mul3A_26 = arith.constant 128 : i32
      %mul3A_27 = arith.muli %add3A_25, %mul3A_26 : i32
      %multiple_of3A_28 = tpu.assume_multiple %mul3A_27, 8 : i32
      %dma_start3A_29 = tpu.memref_slice %arg7[%multiple_of3A_28] : memref<20224xi32, #tpu.memory_space<vmem>> -> memref<128xi32, #tpu.memory_space<vmem>>
      %dma_start3A_30 = arith.constant 0 : i32
      %dma_start3A_31 = arith.constant 0 : i32
      %dma_start3A_32 = tpu.memref_slice %arg2[%dma_start3A_30, %dma_start3A_31] : memref<20000x64xbf16, #tpu.memory_space<hbm>> -> memref<20000x64xbf16, #tpu.memory_space<hbm>>
      tpu.enqueue_indirect_dma source(%dma_start3A_32 : memref<20000x64xbf16, #tpu.memory_space<hbm>>) target(%arg10 : memref<128x64xbf16, #tpu.memory_space<vmem>>) offsets(%dma_start3A_29 : memref<128xi32, #tpu.memory_space<vmem>>) semaphore(%arg13 : memref<!tpu.dma_semaphore, #tpu.memory_space<semaphore_mem>>)
      %mul3A_33 = arith.constant 128 : i32
      %mul3A_34 = arith.muli %mul3A_23, %mul3A_33 : i32
      %multiple_of3A_35 = tpu.assume_multiple %mul3A_34, 8 : i32
      %dma_wait3A = tpu.memref_slice %arg7[%multiple_of3A_35] : memref<20224xi32, #tpu.memory_space<vmem>> -> memref<128xi32, #tpu.memory_space<vmem>>
      %dma_wait3A_36 = arith.constant 0 : i32
      %dma_wait3A_37 = arith.constant 0 : i32
      %dma_wait3A_38 = tpu.memref_slice %arg2[%dma_wait3A_36, %dma_wait3A_37] : memref<20000x64xbf16, #tpu.memory_space<hbm>> -> memref<20000x64xbf16, #tpu.memory_space<hbm>>
      tpu.wait_indirect_dma semaphore(%arg12 : memref<!tpu.dma_semaphore, #tpu.memory_space<semaphore_mem>>) src(%dma_wait3A_38 : memref<20000x64xbf16, #tpu.memory_space<hbm>>) dst(%arg9 : memref<128x64xbf16, #tpu.memory_space<vmem>>)
      "tpu.region"() ({
        %run_scoped3A = tpu.sem_alloc : memref<!tpu.dma_semaphore, #tpu.memory_space<semaphore_mem>>
        %dma_start3A_52 = arith.constant 0 : i32
        %dma_start3A_53 = tpu.memref_slice %arg8[%mul3A_23, %dma_start3A_52] : memref<158x128xi32, #tpu.memory_space<vmem>> -> memref<1x128xi32, #tpu.memory_space<vmem>>
        %dma_start3A_54 = tpu.memref_squeeze %dma_start3A_53 : memref<1x128xi32, #tpu.memory_space<vmem>> -> memref<128xi32, #tpu.memory_space<vmem>>
        %dma_start3A_55 = arith.constant 0 : i32
        %dma_start3A_56 = arith.constant 0 : i32
        %dma_start3A_57 = tpu.memref_slice %arg11[%dma_start3A_55, %dma_start3A_56] : memref<10240x64xbf16, #tpu.memory_space<vmem_shared>> -> memref<10240x64xbf16, #tpu.memory_space<vmem_shared>>
        tpu.enqueue_indirect_dma source(%arg9 : memref<128x64xbf16, #tpu.memory_space<vmem>>) target(%dma_start3A_57 : memref<10240x64xbf16, #tpu.memory_space<vmem_shared>>) offsets(%dma_start3A_54 : memref<128xi32, #tpu.memory_space<vmem>>) semaphore(%run_scoped3A : memref<!tpu.dma_semaphore, #tpu.memory_space<semaphore_mem>>) {add = true}
        %dma_wait3A_58 = arith.constant 0 : i32
        %dma_wait3A_59 = tpu.memref_slice %arg8[%mul3A_23, %dma_wait3A_58] : memref<158x128xi32, #tpu.memory_space<vmem>> -> memref<1x128xi32, #tpu.memory_space<vmem>>
        %dma_wait3A_60 = tpu.memref_squeeze %dma_wait3A_59 : memref<1x128xi32, #tpu.memory_space<vmem>> -> memref<128xi32, #tpu.memory_space<vmem>>
        %dma_wait3A_61 = arith.constant 0 : i32
        %dma_wait3A_62 = arith.constant 0 : i32
        %dma_wait3A_63 = tpu.memref_slice %arg11[%dma_wait3A_61, %dma_wait3A_62] : memref<10240x64xbf16, #tpu.memory_space<vmem_shared>> -> memref<10240x64xbf16, #tpu.memory_space<vmem_shared>>
        tpu.wait_indirect_dma semaphore(%run_scoped3A : memref<!tpu.dma_semaphore, #tpu.memory_space<semaphore_mem>>) src(%arg9 : memref<128x64xbf16, #tpu.memory_space<vmem>>) dst(%dma_wait3A_63 : memref<10240x64xbf16, #tpu.memory_space<vmem_shared>>)
        tpu.yield
      }) : () -> ()
      %lt3A = arith.constant 78 : i32
      %lt3A_39 = arith.cmpi slt, %scan3A_21, %lt3A : i32
      %convert_element_type3A = arith.extui %lt3A_39 : i1 to i32
      %cond3A = arith.constant 0 : i32
      %cond3A_40 = arith.cmpi ne, %convert_element_type3A, %cond3A : i32
      scf.if %cond3A_40 {
        %add3A_52 = arith.constant 2 : i32
        %add3A_53 = arith.addi %mul3A_23, %add3A_52 : i32
        %mul3A_54 = arith.constant 128 : i32
        %mul3A_55 = arith.muli %add3A_53, %mul3A_54 : i32
        %multiple_of3A_56 = tpu.assume_multiple %mul3A_55, 8 : i32
        %dma_start3A_57 = tpu.memref_slice %arg7[%multiple_of3A_56] : memref<20224xi32, #tpu.memory_space<vmem>> -> memref<128xi32, #tpu.memory_space<vmem>>
        %dma_start3A_58 = arith.constant 0 : i32
        %dma_start3A_59 = arith.constant 0 : i32
        %dma_start3A_60 = tpu.memref_slice %arg2[%dma_start3A_58, %dma_start3A_59] : memref<20000x64xbf16, #tpu.memory_space<hbm>> -> memref<20000x64xbf16, #tpu.memory_space<hbm>>
        tpu.enqueue_indirect_dma source(%dma_start3A_60 : memref<20000x64xbf16, #tpu.memory_space<hbm>>) target(%arg9 : memref<128x64xbf16, #tpu.memory_space<vmem>>) offsets(%dma_start3A_57 : memref<128xi32, #tpu.memory_space<vmem>>) semaphore(%arg12 : memref<!tpu.dma_semaphore, #tpu.memory_space<semaphore_mem>>)
      } else {
      }
      %add3A_41 = arith.constant 1 : i32
      %add3A_42 = arith.addi %mul3A_23, %add3A_41 : i32
      %mul3A_43 = arith.constant 128 : i32
      %mul3A_44 = arith.muli %add3A_42, %mul3A_43 : i32
      %multiple_of3A_45 = tpu.assume_multiple %mul3A_44, 8 : i32
      %dma_wait3A_46 = tpu.memref_slice %arg7[%multiple_of3A_45] : memref<20224xi32, #tpu.memory_space<vmem>> -> memref<128xi32, #tpu.memory_space<vmem>>
      %dma_wait3A_47 = arith.constant 0 : i32
      %dma_wait3A_48 = arith.constant 0 : i32
      %dma_wait3A_49 = tpu.memref_slice %arg2[%dma_wait3A_47, %dma_wait3A_48] : memref<20000x64xbf16, #tpu.memory_space<hbm>> -> memref<20000x64xbf16, #tpu.memory_space<hbm>>
      tpu.wait_indirect_dma semaphore(%arg13 : memref<!tpu.dma_semaphore, #tpu.memory_space<semaphore_mem>>) src(%dma_wait3A_49 : memref<20000x64xbf16, #tpu.memory_space<hbm>>) dst(%arg10 : memref<128x64xbf16, #tpu.memory_space<vmem>>)
      %add3A_50 = arith.constant 1 : i32
      %add3A_51 = arith.addi %mul3A_23, %add3A_50 : i32
      "tpu.region"() ({
        %run_scoped3A = tpu.sem_alloc : memref<!tpu.dma_semaphore, #tpu.memory_space<semaphore_mem>>
        %dma_start3A_52 = arith.constant 0 : i32
        %dma_start3A_53 = tpu.memref_slice %arg8[%add3A_51, %dma_start3A_52] : memref<158x128xi32, #tpu.memory_space<vmem>> -> memref<1x128xi32, #tpu.memory_space<vmem>>
        %dma_start3A_54 = tpu.memref_squeeze %dma_start3A_53 : memref<1x128xi32, #tpu.memory_space<vmem>> -> memref<128xi32, #tpu.memory_space<vmem>>
        %dma_start3A_55 = arith.constant 0 : i32
        %dma_start3A_56 = arith.constant 0 : i32
        %dma_start3A_57 = tpu.memref_slice %arg11[%dma_start3A_55, %dma_start3A_56] : memref<10240x64xbf16, #tpu.memory_space<vmem_shared>> -> memref<10240x64xbf16, #tpu.memory_space<vmem_shared>>
        tpu.enqueue_indirect_dma source(%arg10 : memref<128x64xbf16, #tpu.memory_space<vmem>>) target(%dma_start3A_57 : memref<10240x64xbf16, #tpu.memory_space<vmem_shared>>) offsets(%dma_start3A_54 : memref<128xi32, #tpu.memory_space<vmem>>) semaphore(%run_scoped3A : memref<!tpu.dma_semaphore, #tpu.memory_space<semaphore_mem>>) {add = true}
        %dma_wait3A_58 = arith.constant 0 : i32
        %dma_wait3A_59 = tpu.memref_slice %arg8[%add3A_51, %dma_wait3A_58] : memref<158x128xi32, #tpu.memory_space<vmem>> -> memref<1x128xi32, #tpu.memory_space<vmem>>
        %dma_wait3A_60 = tpu.memref_squeeze %dma_wait3A_59 : memref<1x128xi32, #tpu.memory_space<vmem>> -> memref<128xi32, #tpu.memory_space<vmem>>
        %dma_wait3A_61 = arith.constant 0 : i32
        %dma_wait3A_62 = arith.constant 0 : i32
        %dma_wait3A_63 = tpu.memref_slice %arg11[%dma_wait3A_61, %dma_wait3A_62] : memref<10240x64xbf16, #tpu.memory_space<vmem_shared>> -> memref<10240x64xbf16, #tpu.memory_space<vmem_shared>>
        tpu.wait_indirect_dma semaphore(%run_scoped3A : memref<!tpu.dma_semaphore, #tpu.memory_space<semaphore_mem>>) src(%arg10 : memref<128x64xbf16, #tpu.memory_space<vmem>>) dst(%dma_wait3A_63 : memref<10240x64xbf16, #tpu.memory_space<vmem_shared>>)
        tpu.yield
      }) : () -> ()
    }
    %scan3A_16 = arith.constant 79 : i32
    %barrier3A_17 = arith.constant 0 : index
    tpu.barrier barrier_id(%barrier3A_17)
    %mul3A_18 = arith.constant 10240 : i32
    %mul3A_19 = arith.muli %arg0, %mul3A_18 : i32
    %add3A_20 = arith.addi %mul3A_19, %multiple_of3A_7 : i32
    "tpu.region"() ({
      %run_scoped3A = tpu.sem_alloc : memref<!tpu.dma_semaphore, #tpu.memory_space<semaphore_mem>>
      %dma_start3A_21 = arith.constant 0 : i32
      %dma_start3A_22 = tpu.memref_slice %arg6[%add3A_20, %dma_start3A_21] : memref<20480x64xbf16, #tpu.memory_space<hbm>> -> memref<640x64xbf16, #tpu.memory_space<hbm>>
      %dma_start3A_23 = arith.constant 0 : i32
      %dma_start3A_24 = tpu.memref_slice %arg11[%multiple_of3A_7, %dma_start3A_23] : memref<10240x64xbf16, #tpu.memory_space<vmem_shared>> -> memref<640x64xbf16, #tpu.memory_space<vmem_shared>>
      tpu.enqueue_dma source(%dma_start3A_24 : memref<640x64xbf16, #tpu.memory_space<vmem_shared>>) target(%dma_start3A_22 : memref<640x64xbf16, #tpu.memory_space<hbm>>) target_semaphore(%run_scoped3A : memref<!tpu.dma_semaphore, #tpu.memory_space<semaphore_mem>>)
      %dma_wait3A = arith.constant 0 : i32
      %dma_wait3A_25 = tpu.memref_slice %arg6[%add3A_20, %dma_wait3A] : memref<20480x64xbf16, #tpu.memory_space<hbm>> -> memref<640x64xbf16, #tpu.memory_space<hbm>>
      %dma_wait3A_26 = arith.constant 0 : i32
      %dma_wait3A_27 = tpu.memref_slice %arg11[%multiple_of3A_7, %dma_wait3A_26] : memref<10240x64xbf16, #tpu.memory_space<vmem_shared>> -> memref<640x64xbf16, #tpu.memory_space<vmem_shared>>
      tpu.wait_dma2 semaphore(%run_scoped3A : memref<!tpu.dma_semaphore, #tpu.memory_space<semaphore_mem>>) src(%dma_wait3A_27 : memref<640x64xbf16, #tpu.memory_space<vmem_shared>>) dst(%dma_wait3A_25 : memref<640x64xbf16, #tpu.memory_space<hbm>>)
      tpu.yield
    }) : () -> ()
    return
  }
}

module attributes {stable_mosaic.version = 14 : i64} {
  func.func @_deg_combine_body(%arg0: memref<32x10240xf32, #tpu.memory_space<vmem>>, %arg1: memref<2x10240xf32, #tpu.memory_space<vmem>>) attributes {dimension_semantics = [], scalar_prefetch = 0 : i64, scratch_operands = 0 : i64, tpu.core_type = #tpu.core_type<tc>} {
    %get3A = arith.constant 0 : index
    %get3A_0 = arith.constant 0 : index
    %get3A_1 = vector.load %arg0[%get3A, %get3A_0] : memref<32x10240xf32, #tpu.memory_space<vmem>>, vector<32x10240xf32>
    %slice3A = vector.extract_strided_slice %get3A_1 {offsets = [0, 0], sizes = [16, 10240], strides = [1, 1]} : vector<32x10240xf32> to vector<16x10240xf32>
    %reduce_sum3A = arith.constant dense<0.000000e+00> : vector<10240xf32>
    %reduce_sum3A_2 = vector.multi_reduction <add>, %slice3A, %reduce_sum3A [0] : vector<16x10240xf32> to vector<10240xf32>
    %broadcast_in_dim3A = vector.shape_cast %reduce_sum3A_2 : vector<10240xf32> to vector<1x10240xf32>
    %slice3A_3 = vector.extract_strided_slice %get3A_1 {offsets = [16, 0], sizes = [16, 10240], strides = [1, 1]} : vector<32x10240xf32> to vector<16x10240xf32>
    %reduce_sum3A_4 = arith.constant dense<0.000000e+00> : vector<10240xf32>
    %reduce_sum3A_5 = vector.multi_reduction <add>, %slice3A_3, %reduce_sum3A_4 [0] : vector<16x10240xf32> to vector<10240xf32>
    %broadcast_in_dim3A_6 = vector.shape_cast %reduce_sum3A_5 : vector<10240xf32> to vector<1x10240xf32>
    %concatenate3A = tpu.concatenate %broadcast_in_dim3A, %broadcast_in_dim3A_6 in 0 : vector<1x10240xf32>, vector<1x10240xf32> -> vector<2x10240xf32>
    %add3A = arith.constant 1.000000e+00 : f32
    %add3A_7 = vector.broadcast %add3A : f32 to vector<2x10240xf32>
    %add3A_8 = arith.addf %concatenate3A, %add3A_7 : vector<2x10240xf32>
    %rsqrt3A = math.rsqrt %add3A_8 : vector<2x10240xf32>
    %swap3A = arith.constant 0 : index
    %swap3A_9 = arith.constant 0 : index
    %swap3A_10 = vector.load %arg1[%swap3A, %swap3A_9] : memref<2x10240xf32, #tpu.memory_space<vmem>>, vector<2x10240xf32>
    tpu.vector_store %arg1[%swap3A, %swap3A_9], %rsqrt3A {strides = array<i32>} : memref<2x10240xf32, #tpu.memory_space<vmem>>, vector<2x10240xf32>,
    return
  }
}

module attributes {stable_mosaic.version = 14 : i64} {
  func.func @_t1_body(%arg0: i32, %arg1: memref<2000x128xf32, #tpu.memory_space<vmem>>, %arg2: memref<128x64xf32, #tpu.memory_space<vmem>>, %arg3: memref<2000x1xf32, #tpu.memory_space<vmem>>, %arg4: memref<2000x64xbf16, #tpu.memory_space<vmem>>) attributes {dimension_semantics = [#tpu.dimension_semantics<arbitrary>], iteration_bounds = array<i64: 10>, scalar_prefetch = 0 : i64, scratch_operands = 0 : i64, tpu.core_type = #tpu.core_type<tc>, window_params = [{transform_indices = @transform_0, window_bounds = array<i64: 2000, 128>}, {pipeline_mode = #tpu.pipeline_mode<synchronous>, transform_indices = @transform_1, window_bounds = array<i64: 128, 64>}, {transform_indices = @transform_2, window_bounds = array<i64: 2000, 1>}, {transform_indices = @transform_3, window_bounds = array<i64: 2000, 64>}]} {
    %get3A = arith.constant 0 : index
    %get3A_0 = arith.constant 0 : index
    %get3A_1 = vector.load %arg3[%get3A, %get3A_0] : memref<2000x1xf32, #tpu.memory_space<vmem>>, vector<2000x1xf32>
    %get3A_2 = arith.constant 0 : index
    %get3A_3 = arith.constant 0 : index
    %get3A_4 = vector.load %arg1[%get3A_2, %get3A_3] : memref<2000x128xf32, #tpu.memory_space<vmem>>, vector<2000x128xf32>
    %get3A_5 = arith.constant 0 : index
    %get3A_6 = arith.constant 0 : index
    %get3A_7 = vector.load %arg2[%get3A_5, %get3A_6] : memref<128x64xf32, #tpu.memory_space<vmem>>, vector<128x64xf32>
    %dot_general3A = arith.constant dense<0.000000e+00> : vector<2000x64xf32>
    %dot_general3A_8 = tpu.matmul %get3A_4, %get3A_7, %dot_general3A {dimension_numbers = #tpu.dot_dimension_numbers<[1], [0], [0], [1], [0, 0, 1, 1], [], []>, precision = #tpu.contract_precision<fp32>, transpose_lhs_hint = false} : vector<2000x128xf32>, vector<128x64xf32>, vector<2000x64xf32> -> vector<2000x64xf32>
    %mul3A = vector.broadcast %get3A_1 : vector<2000x1xf32> to vector<2000x64xf32>
    %mul3A_9 = arith.mulf %mul3A, %dot_general3A_8 : vector<2000x64xf32>
    %convert_element_type3A = arith.truncf %mul3A_9 : vector<2000x64xf32> to vector<2000x64xbf16>
    %swap3A = arith.constant 0 : index
    %swap3A_10 = arith.constant 0 : index
    %swap3A_11 = vector.load %arg4[%swap3A, %swap3A_10] : memref<2000x64xbf16, #tpu.memory_space<vmem>>, vector<2000x64xbf16>
    tpu.vector_store %arg4[%swap3A, %swap3A_10], %convert_element_type3A {strides = array<i32>} : memref<2000x64xbf16, #tpu.memory_space<vmem>>, vector<2000x64xbf16>,
    return
  }
  func.func @transform_0(%arg0: i32) -> (i32, i32) {
    %c0_i32 = arith.constant 0 : i32
    %c0_i32_0 = arith.constant 0 : i32
    return %arg0, %c0_i32 : i32, i32
  }
  func.func @transform_1(%arg0: i32) -> (i32, i32) {
    %c0_i32 = arith.constant 0 : i32
    %c0_i32_0 = arith.constant 0 : i32
    %c0_i32_1 = arith.constant 0 : i32
    return %c0_i32, %c0_i32_0 : i32, i32
  }
  func.func @transform_2(%arg0: i32) -> (i32, i32) {
    %c0_i32 = arith.constant 0 : i32
    %c0_i32_0 = arith.constant 0 : i32
    return %arg0, %c0_i32 : i32, i32
  }
  func.func @transform_3(%arg0: i32) -> (i32, i32) {
    %c0_i32 = arith.constant 0 : i32
    %c0_i32_0 = arith.constant 0 : i32
    return %arg0, %c0_i32 : i32, i32
  }
}

module attributes {stable_mosaic.version = 14 : i64} {
  func.func @_mid_body(%arg0: i32, %arg1: i32, %arg2: memref<1x2000x64xbf16, #tpu.memory_space<vmem>>, %arg3: memref<2000x64xbf16, #tpu.memory_space<vmem>>, %arg4: memref<64xf32, #tpu.memory_space<vmem>>, %arg5: memref<2000x1xf32, #tpu.memory_space<vmem>>, %arg6: memref<64x32xf32, #tpu.memory_space<vmem>>, %arg7: memref<2000x32xbf16, #tpu.memory_space<vmem>>) attributes {dimension_semantics = [#tpu.dimension_semantics<arbitrary>, #tpu.dimension_semantics<arbitrary>], iteration_bounds = array<i64: 2, 5>, scalar_prefetch = 0 : i64, scratch_operands = 0 : i64, tpu.core_type = #tpu.core_type<tc>, window_params = [{transform_indices = @transform_0, window_bounds = array<i64: 1, 2000, 64>}, {transform_indices = @transform_1, window_bounds = array<i64: 2000, 64>}, {pipeline_mode = #tpu.pipeline_mode<synchronous>, transform_indices = @transform_2, window_bounds = array<i64: 64>}, {transform_indices = @transform_3, window_bounds = array<i64: 2000, 1>}, {pipeline_mode = #tpu.pipeline_mode<synchronous>, transform_indices = @transform_4, window_bounds = array<i64: 64, 32>}, {transform_indices = @transform_5, window_bounds = array<i64: 2000, 32>}]} {
    %get3A = arith.constant 0 : index
    %get3A_0 = arith.constant 0 : index
    %get3A_1 = arith.constant 0 : index
    %get3A_2 = vector.load %arg2[%get3A, %get3A_0, %get3A_1] : memref<1x2000x64xbf16, #tpu.memory_space<vmem>>, vector<1x2000x64xbf16>
    %get3A_3 = vector.shape_cast %get3A_2 : vector<1x2000x64xbf16> to vector<2000x64xbf16>
    %convert_element_type3A = arith.extf %get3A_3 : vector<2000x64xbf16> to vector<2000x64xf32>
    %get3A_4 = arith.constant 0 : index
    %get3A_5 = arith.constant 0 : index
    %get3A_6 = vector.load %arg3[%get3A_4, %get3A_5] : memref<2000x64xbf16, #tpu.memory_space<vmem>>, vector<2000x64xbf16>
    %convert_element_type3A_7 = arith.extf %get3A_6 : vector<2000x64xbf16> to vector<2000x64xf32>
    %add3A = arith.addf %convert_element_type3A, %convert_element_type3A_7 : vector<2000x64xf32>
    %get3A_8 = arith.constant 0 : index
    %get3A_9 = arith.constant 0 : index
    %get3A_10 = vector.load %arg5[%get3A_8, %get3A_9] : memref<2000x1xf32, #tpu.memory_space<vmem>>, vector<2000x1xf32>
    %mul3A = vector.broadcast %get3A_10 : vector<2000x1xf32> to vector<2000x64xf32>
    %mul3A_11 = arith.mulf %mul3A, %add3A : vector<2000x64xf32>
    %get3A_12 = arith.constant 0 : index
    %get3A_13 = vector.load %arg4[%get3A_12] : memref<64xf32, #tpu.memory_space<vmem>>, vector<64xf32>
    %broadcast_in_dim3A = vector.shape_cast %get3A_13 : vector<64xf32> to vector<1x64xf32>
    %add3A_14 = vector.broadcast %broadcast_in_dim3A : vector<1x64xf32> to vector<2000x64xf32>
    %add3A_15 = arith.addf %mul3A_11, %add3A_14 : vector<2000x64xf32>
    %max3A = arith.constant 0.000000e+00 : f32
    %max3A_16 = vector.broadcast %max3A : f32 to vector<2000x64xf32>
    %max3A_17 = arith.maximumf %add3A_15, %max3A_16 : vector<2000x64xf32>
    %get3A_18 = arith.constant 0 : index
    %get3A_19 = arith.constant 0 : index
    %get3A_20 = vector.load %arg5[%get3A_18, %get3A_19] : memref<2000x1xf32, #tpu.memory_space<vmem>>, vector<2000x1xf32>
    %get3A_21 = arith.constant 0 : index
    %get3A_22 = arith.constant 0 : index
    %get3A_23 = vector.load %arg6[%get3A_21, %get3A_22] : memref<64x32xf32, #tpu.memory_space<vmem>>, vector<64x32xf32>
    %dot_general3A = arith.constant dense<0.000000e+00> : vector<2000x32xf32>
    %dot_general3A_24 = tpu.matmul %max3A_17, %get3A_23, %dot_general3A {dimension_numbers = #tpu.dot_dimension_numbers<[1], [0], [0], [1], [0, 0, 1, 1], [], []>, precision = #tpu.contract_precision<fp32>, transpose_lhs_hint = false} : vector<2000x64xf32>, vector<64x32xf32>, vector<2000x32xf32> -> vector<2000x32xf32>
    %mul3A_25 = vector.broadcast %get3A_20 : vector<2000x1xf32> to vector<2000x32xf32>
    %mul3A_26 = arith.mulf %mul3A_25, %dot_general3A_24 : vector<2000x32xf32>
    %convert_element_type3A_27 = arith.truncf %mul3A_26 : vector<2000x32xf32> to vector<2000x32xbf16>
    %swap3A = arith.constant 0 : index
    %swap3A_28 = arith.constant 0 : index
    %swap3A_29 = vector.load %arg7[%swap3A, %swap3A_28] : memref<2000x32xbf16, #tpu.memory_space<vmem>>, vector<2000x32xbf16>
    tpu.vector_store %arg7[%swap3A, %swap3A_28], %convert_element_type3A_27 {strides = array<i32>} : memref<2000x32xbf16, #tpu.memory_space<vmem>>, vector<2000x32xbf16>,
    return
  }
  func.func @transform_0(%arg0: i32, %arg1: i32) -> (i32, i32, i32) {
    %c0_i32 = arith.constant 0 : i32
    %c0_i32_0 = arith.constant 0 : i32
    return %arg0, %arg1, %c0_i32 : i32, i32, i32
  }
  func.func @transform_1(%arg0: i32, %arg1: i32) -> (i32, i32) {
    %mul3A = arith.constant 5 : i32
    %mul3A_0 = arith.muli %arg0, %mul3A : i32
    %add3A = arith.addi %mul3A_0, %arg1 : i32
    %c0_i32 = arith.constant 0 : i32
    %c0_i32_1 = arith.constant 0 : i32
    return %add3A, %c0_i32 : i32, i32
  }
  func.func @transform_2(%arg0: i32, %arg1: i32) -> i32 {
    %c0_i32 = arith.constant 0 : i32
    %c0_i32_0 = arith.constant 0 : i32
    return %c0_i32 : i32
  }
  func.func @transform_3(%arg0: i32, %arg1: i32) -> (i32, i32) {
    %mul3A = arith.constant 5 : i32
    %mul3A_0 = arith.muli %arg0, %mul3A : i32
    %add3A = arith.addi %mul3A_0, %arg1 : i32
    %c0_i32 = arith.constant 0 : i32
    %c0_i32_1 = arith.constant 0 : i32
    return %add3A, %c0_i32 : i32, i32
  }
  func.func @transform_4(%arg0: i32, %arg1: i32) -> (i32, i32) {
    %c0_i32 = arith.constant 0 : i32
    %c0_i32_0 = arith.constant 0 : i32
    %c0_i32_1 = arith.constant 0 : i32
    return %c0_i32, %c0_i32_0 : i32, i32
  }
  func.func @transform_5(%arg0: i32, %arg1: i32) -> (i32, i32) {
    %mul3A = arith.constant 5 : i32
    %mul3A_0 = arith.muli %arg0, %mul3A : i32
    %add3A = arith.addi %mul3A_0, %arg1 : i32
    %c0_i32 = arith.constant 0 : i32
    %c0_i32_1 = arith.constant 0 : i32
    return %add3A, %c0_i32 : i32, i32
  }
}

module attributes {stable_mosaic.version = 14 : i64} {
  func.func @_mid_body(%arg0: i32, %arg1: i32, %arg2: memref<1x2000x32xbf16, #tpu.memory_space<vmem>>, %arg3: memref<2000x32xbf16, #tpu.memory_space<vmem>>, %arg4: memref<32xf32, #tpu.memory_space<vmem>>, %arg5: memref<2000x1xf32, #tpu.memory_space<vmem>>, %arg6: memref<32x32xf32, #tpu.memory_space<vmem>>, %arg7: memref<2000x32xbf16, #tpu.memory_space<vmem>>) attributes {dimension_semantics = [#tpu.dimension_semantics<arbitrary>, #tpu.dimension_semantics<arbitrary>], iteration_bounds = array<i64: 2, 5>, scalar_prefetch = 0 : i64, scratch_operands = 0 : i64, tpu.core_type = #tpu.core_type<tc>, window_params = [{transform_indices = @transform_0, window_bounds = array<i64: 1, 2000, 32>}, {transform_indices = @transform_1, window_bounds = array<i64: 2000, 32>}, {pipeline_mode = #tpu.pipeline_mode<synchronous>, transform_indices = @transform_2, window_bounds = array<i64: 32>}, {transform_indices = @transform_3, window_bounds = array<i64: 2000, 1>}, {pipeline_mode = #tpu.pipeline_mode<synchronous>, transform_indices = @transform_4, window_bounds = array<i64: 32, 32>}, {transform_indices = @transform_5, window_bounds = array<i64: 2000, 32>}]} {
    %get3A = arith.constant 0 : index
    %get3A_0 = arith.constant 0 : index
    %get3A_1 = arith.constant 0 : index
    %get3A_2 = vector.load %arg2[%get3A, %get3A_0, %get3A_1] : memref<1x2000x32xbf16, #tpu.memory_space<vmem>>, vector<1x2000x32xbf16>
    %get3A_3 = vector.shape_cast %get3A_2 : vector<1x2000x32xbf16> to vector<2000x32xbf16>
    %convert_element_type3A = arith.extf %get3A_3 : vector<2000x32xbf16> to vector<2000x32xf32>
    %get3A_4 = arith.constant 0 : index
    %get3A_5 = arith.constant 0 : index
    %get3A_6 = vector.load %arg3[%get3A_4, %get3A_5] : memref<2000x32xbf16, #tpu.memory_space<vmem>>, vector<2000x32xbf16>
    %convert_element_type3A_7 = arith.extf %get3A_6 : vector<2000x32xbf16> to vector<2000x32xf32>
    %add3A = arith.addf %convert_element_type3A, %convert_element_type3A_7 : vector<2000x32xf32>
    %get3A_8 = arith.constant 0 : index
    %get3A_9 = arith.constant 0 : index
    %get3A_10 = vector.load %arg5[%get3A_8, %get3A_9] : memref<2000x1xf32, #tpu.memory_space<vmem>>, vector<2000x1xf32>
    %mul3A = vector.broadcast %get3A_10 : vector<2000x1xf32> to vector<2000x32xf32>
    %mul3A_11 = arith.mulf %mul3A, %add3A : vector<2000x32xf32>
    %get3A_12 = arith.constant 0 : index
    %get3A_13 = vector.load %arg4[%get3A_12] : memref<32xf32, #tpu.memory_space<vmem>>, vector<32xf32>
    %broadcast_in_dim3A = vector.shape_cast %get3A_13 : vector<32xf32> to vector<1x32xf32>
    %add3A_14 = vector.broadcast %broadcast_in_dim3A : vector<1x32xf32> to vector<2000x32xf32>
    %add3A_15 = arith.addf %mul3A_11, %add3A_14 : vector<2000x32xf32>
    %max3A = arith.constant 0.000000e+00 : f32
    %max3A_16 = vector.broadcast %max3A : f32 to vector<2000x32xf32>
    %max3A_17 = arith.maximumf %add3A_15, %max3A_16 : vector<2000x32xf32>
    %get3A_18 = arith.constant 0 : index
    %get3A_19 = arith.constant 0 : index
    %get3A_20 = vector.load %arg5[%get3A_18, %get3A_19] : memref<2000x1xf32, #tpu.memory_space<vmem>>, vector<2000x1xf32>
    %get3A_21 = arith.constant 0 : index
    %get3A_22 = arith.constant 0 : index
    %get3A_23 = vector.load %arg6[%get3A_21, %get3A_22] : memref<32x32xf32, #tpu.memory_space<vmem>>, vector<32x32xf32>
    %dot_general3A = arith.constant dense<0.000000e+00> : vector<2000x32xf32>
    %dot_general3A_24 = tpu.matmul %max3A_17, %get3A_23, %dot_general3A {dimension_numbers = #tpu.dot_dimension_numbers<[1], [0], [0], [1], [0, 0, 1, 1], [], []>, precision = #tpu.contract_precision<fp32>, transpose_lhs_hint = false} : vector<2000x32xf32>, vector<32x32xf32>, vector<2000x32xf32> -> vector<2000x32xf32>
    %mul3A_25 = vector.broadcast %get3A_20 : vector<2000x1xf32> to vector<2000x32xf32>
    %mul3A_26 = arith.mulf %mul3A_25, %dot_general3A_24 : vector<2000x32xf32>
    %convert_element_type3A_27 = arith.truncf %mul3A_26 : vector<2000x32xf32> to vector<2000x32xbf16>
    %swap3A = arith.constant 0 : index
    %swap3A_28 = arith.constant 0 : index
    %swap3A_29 = vector.load %arg7[%swap3A, %swap3A_28] : memref<2000x32xbf16, #tpu.memory_space<vmem>>, vector<2000x32xbf16>
    tpu.vector_store %arg7[%swap3A, %swap3A_28], %convert_element_type3A_27 {strides = array<i32>} : memref<2000x32xbf16, #tpu.memory_space<vmem>>, vector<2000x32xbf16>,
    return
  }
  func.func @transform_0(%arg0: i32, %arg1: i32) -> (i32, i32, i32) {
    %c0_i32 = arith.constant 0 : i32
    %c0_i32_0 = arith.constant 0 : i32
    return %arg0, %arg1, %c0_i32 : i32, i32, i32
  }
  func.func @transform_1(%arg0: i32, %arg1: i32) -> (i32, i32) {
    %mul3A = arith.constant 5 : i32
    %mul3A_0 = arith.muli %arg0, %mul3A : i32
    %add3A = arith.addi %mul3A_0, %arg1 : i32
    %c0_i32 = arith.constant 0 : i32
    %c0_i32_1 = arith.constant 0 : i32
    return %add3A, %c0_i32 : i32, i32
  }
  func.func @transform_2(%arg0: i32, %arg1: i32) -> i32 {
    %c0_i32 = arith.constant 0 : i32
    %c0_i32_0 = arith.constant 0 : i32
    return %c0_i32 : i32
  }
  func.func @transform_3(%arg0: i32, %arg1: i32) -> (i32, i32) {
    %mul3A = arith.constant 5 : i32
    %mul3A_0 = arith.muli %arg0, %mul3A : i32
    %add3A = arith.addi %mul3A_0, %arg1 : i32
    %c0_i32 = arith.constant 0 : i32
    %c0_i32_1 = arith.constant 0 : i32
    return %add3A, %c0_i32 : i32, i32
  }
  func.func @transform_4(%arg0: i32, %arg1: i32) -> (i32, i32) {
    %c0_i32 = arith.constant 0 : i32
    %c0_i32_0 = arith.constant 0 : i32
    %c0_i32_1 = arith.constant 0 : i32
    return %c0_i32, %c0_i32_0 : i32, i32
  }
  func.func @transform_5(%arg0: i32, %arg1: i32) -> (i32, i32) {
    %mul3A = arith.constant 5 : i32
    %mul3A_0 = arith.muli %arg0, %mul3A : i32
    %add3A = arith.addi %mul3A_0, %arg1 : i32
    %c0_i32 = arith.constant 0 : i32
    %c0_i32_1 = arith.constant 0 : i32
    return %add3A, %c0_i32 : i32, i32
  }
}

module attributes {stable_mosaic.version = 14 : i64} {
  func.func @_fin_body(%arg0: i32, %arg1: i32, %arg2: memref<1x2000x32xbf16, #tpu.memory_space<vmem>>, %arg3: memref<2000x32xbf16, #tpu.memory_space<vmem>>, %arg4: memref<2000x1xf32, #tpu.memory_space<vmem>>, %arg5: memref<32x128xf32, #tpu.memory_space<vmem>>, %arg6: memref<128xf32, #tpu.memory_space<vmem>>, %arg7: memref<2000x128xf32, #tpu.memory_space<vmem>>) attributes {dimension_semantics = [#tpu.dimension_semantics<arbitrary>, #tpu.dimension_semantics<arbitrary>], iteration_bounds = array<i64: 2, 5>, scalar_prefetch = 0 : i64, scratch_operands = 0 : i64, tpu.core_type = #tpu.core_type<tc>, window_params = [{transform_indices = @transform_0, window_bounds = array<i64: 1, 2000, 32>}, {transform_indices = @transform_1, window_bounds = array<i64: 2000, 32>}, {transform_indices = @transform_2, window_bounds = array<i64: 2000, 1>}, {pipeline_mode = #tpu.pipeline_mode<synchronous>, transform_indices = @transform_3, window_bounds = array<i64: 32, 128>}, {pipeline_mode = #tpu.pipeline_mode<synchronous>, transform_indices = @transform_4, window_bounds = array<i64: 128>}, {transform_indices = @transform_5, window_bounds = array<i64: 2000, 128>}]} {
    %get3A = arith.constant 0 : index
    %get3A_0 = arith.constant 0 : index
    %get3A_1 = arith.constant 0 : index
    %get3A_2 = vector.load %arg2[%get3A, %get3A_0, %get3A_1] : memref<1x2000x32xbf16, #tpu.memory_space<vmem>>, vector<1x2000x32xbf16>
    %get3A_3 = vector.shape_cast %get3A_2 : vector<1x2000x32xbf16> to vector<2000x32xbf16>
    %convert_element_type3A = arith.extf %get3A_3 : vector<2000x32xbf16> to vector<2000x32xf32>
    %get3A_4 = arith.constant 0 : index
    %get3A_5 = arith.constant 0 : index
    %get3A_6 = vector.load %arg3[%get3A_4, %get3A_5] : memref<2000x32xbf16, #tpu.memory_space<vmem>>, vector<2000x32xbf16>
    %convert_element_type3A_7 = arith.extf %get3A_6 : vector<2000x32xbf16> to vector<2000x32xf32>
    %add3A = arith.addf %convert_element_type3A, %convert_element_type3A_7 : vector<2000x32xf32>
    %get3A_8 = arith.constant 0 : index
    %get3A_9 = arith.constant 0 : index
    %get3A_10 = vector.load %arg4[%get3A_8, %get3A_9] : memref<2000x1xf32, #tpu.memory_space<vmem>>, vector<2000x1xf32>
    %mul3A = vector.broadcast %get3A_10 : vector<2000x1xf32> to vector<2000x32xf32>
    %mul3A_11 = arith.mulf %mul3A, %add3A : vector<2000x32xf32>
    %get3A_12 = arith.constant 0 : index
    %get3A_13 = arith.constant 0 : index
    %get3A_14 = vector.load %arg5[%get3A_12, %get3A_13] : memref<32x128xf32, #tpu.memory_space<vmem>>, vector<32x128xf32>
    %dot_general3A = arith.constant dense<0.000000e+00> : vector<2000x128xf32>
    %dot_general3A_15 = tpu.matmul %mul3A_11, %get3A_14, %dot_general3A {dimension_numbers = #tpu.dot_dimension_numbers<[1], [0], [0], [1], [0, 0, 1, 1], [], []>, precision = #tpu.contract_precision<fp32>, transpose_lhs_hint = false} : vector<2000x32xf32>, vector<32x128xf32>, vector<2000x128xf32> -> vector<2000x128xf32>
    %get3A_16 = arith.constant 0 : index
    %get3A_17 = vector.load %arg6[%get3A_16] : memref<128xf32, #tpu.memory_space<vmem>>, vector<128xf32>
    %broadcast_in_dim3A = vector.shape_cast %get3A_17 : vector<128xf32> to vector<1x128xf32>
    %add3A_18 = vector.broadcast %broadcast_in_dim3A : vector<1x128xf32> to vector<2000x128xf32>
    %add3A_19 = arith.addf %dot_general3A_15, %add3A_18 : vector<2000x128xf32>
    %swap3A = arith.constant 0 : index
    %swap3A_20 = arith.constant 0 : index
    %swap3A_21 = vector.load %arg7[%swap3A, %swap3A_20] : memref<2000x128xf32, #tpu.memory_space<vmem>>, vector<2000x128xf32>
    tpu.vector_store %arg7[%swap3A, %swap3A_20], %add3A_19 {strides = array<i32>} : memref<2000x128xf32, #tpu.memory_space<vmem>>, vector<2000x128xf32>,
    return
  }
  func.func @transform_0(%arg0: i32, %arg1: i32) -> (i32, i32, i32) {
    %c0_i32 = arith.constant 0 : i32
    %c0_i32_0 = arith.constant 0 : i32
    return %arg0, %arg1, %c0_i32 : i32, i32, i32
  }
  func.func @transform_1(%arg0: i32, %arg1: i32) -> (i32, i32) {
    %mul3A = arith.constant 5 : i32
    %mul3A_0 = arith.muli %arg0, %mul3A : i32
    %add3A = arith.addi %mul3A_0, %arg1 : i32
    %c0_i32 = arith.constant 0 : i32
    %c0_i32_1 = arith.constant 0 : i32
    return %add3A, %c0_i32 : i32, i32
  }
  func.func @transform_2(%arg0: i32, %arg1: i32) -> (i32, i32) {
    %mul3A = arith.constant 5 : i32
    %mul3A_0 = arith.muli %arg0, %mul3A : i32
    %add3A = arith.addi %mul3A_0, %arg1 : i32
    %c0_i32 = arith.constant 0 : i32
    %c0_i32_1 = arith.constant 0 : i32
    return %add3A, %c0_i32 : i32, i32
  }
  func.func @transform_3(%arg0: i32, %arg1: i32) -> (i32, i32) {
    %c0_i32 = arith.constant 0 : i32
    %c0_i32_0 = arith.constant 0 : i32
    %c0_i32_1 = arith.constant 0 : i32
    return %c0_i32, %c0_i32_0 : i32, i32
  }
  func.func @transform_4(%arg0: i32, %arg1: i32) -> i32 {
    %c0_i32 = arith.constant 0 : i32
    %c0_i32_0 = arith.constant 0 : i32
    return %c0_i32 : i32
  }
  func.func @transform_5(%arg0: i32, %arg1: i32) -> (i32, i32) {
    %mul3A = arith.constant 5 : i32
    %mul3A_0 = arith.muli %arg0, %mul3A : i32
    %add3A = arith.addi %mul3A_0, %arg1 : i32
    %c0_i32 = arith.constant 0 : i32
    %c0_i32_1 = arith.constant 0 : i32
    return %add3A, %c0_i32 : i32, i32
  }
}

module attributes {stable_mosaic.version = 14 : i64} {
  func.func @_att_body(%arg0: i32, %arg1: memref<1x10000x128xf32, #tpu.memory_space<vmem>>, %arg2: memref<128x128xf32, #tpu.memory_space<vmem>>, %arg3: memref<8x128xf32, #tpu.memory_space<vmem>>) attributes {dimension_semantics = [#tpu.dimension_semantics<arbitrary>], iteration_bounds = array<i64: 2>, scalar_prefetch = 0 : i64, scratch_operands = 0 : i64, tpu.core_type = #tpu.core_type<tc>, window_params = [{transform_indices = @transform_0, window_bounds = array<i64: 1, 10000, 128>}, {pipeline_mode = #tpu.pipeline_mode<synchronous>, transform_indices = @transform_1, window_bounds = array<i64: 128, 128>}, {transform_indices = @transform_2, window_bounds = array<i64: 8, 128>}]} {
    %get3A = arith.constant 0 : index
    %get3A_0 = arith.constant 0 : index
    %get3A_1 = arith.constant 0 : index
    %get3A_2 = vector.load %arg1[%get3A, %get3A_0, %get3A_1] : memref<1x10000x128xf32, #tpu.memory_space<vmem>>, vector<1x10000x128xf32>
    %get3A_3 = vector.shape_cast %get3A_2 : vector<1x10000x128xf32> to vector<10000x128xf32>
    %reduce_sum3A = arith.constant dense<0.000000e+00> : vector<128xf32>
    %reduce_sum3A_4 = vector.multi_reduction <add>, %get3A_3, %reduce_sum3A [0] : vector<10000x128xf32> to vector<128xf32>
    %broadcast_in_dim3A = vector.shape_cast %reduce_sum3A_4 : vector<128xf32> to vector<1x128xf32>
    %div3A = arith.constant 1.000000e+04 : f32
    %div3A_5 = vector.broadcast %div3A : f32 to vector<1x128xf32>
    %div3A_6 = arith.divf %broadcast_in_dim3A, %div3A_5 : vector<1x128xf32>
    %get3A_7 = arith.constant 0 : index
    %get3A_8 = arith.constant 0 : index
    %get3A_9 = vector.load %arg2[%get3A_7, %get3A_8] : memref<128x128xf32, #tpu.memory_space<vmem>>, vector<128x128xf32>
    %dot_general3A = arith.constant dense<0.000000e+00> : vector<1x128xf32>
    %dot_general3A_10 = tpu.matmul %div3A_6, %get3A_9, %dot_general3A {dimension_numbers = #tpu.dot_dimension_numbers<[1], [0], [0], [1], [0, 0, 1, 1], [], []>, precision = #tpu.contract_precision<fp32>, transpose_lhs_hint = false} : vector<1x128xf32>, vector<128x128xf32>, vector<1x128xf32> -> vector<1x128xf32>
    %tanh3A = math.tanh %dot_general3A_10 : vector<1x128xf32>
    %dot_general3A_11 = arith.constant dense<0.000000e+00> : vector<10000x1xf32>
    %dot_general3A_12 = tpu.matmul %get3A_3, %tanh3A, %dot_general3A_11 {dimension_numbers = #tpu.dot_dimension_numbers<[1], [1], [0], [0], [0, 0, 1, 0], [], []>, precision = #tpu.contract_precision<fp32>, transpose_lhs_hint = false} : vector<10000x128xf32>, vector<1x128xf32>, vector<10000x1xf32> -> vector<10000x1xf32>
    %logistic3A = arith.negf %dot_general3A_12 : vector<10000x1xf32>
    %logistic3A_13 = math.exp %logistic3A : vector<10000x1xf32>
    %logistic3A_14 = arith.constant 1.000000e+00 : f32
    %logistic3A_15 = vector.broadcast %logistic3A_14 : f32 to vector<10000x1xf32>
    %logistic3A_16 = arith.addf %logistic3A_15, %logistic3A_13 : vector<10000x1xf32>
    %logistic3A_17 = arith.divf %logistic3A_15, %logistic3A_16 : vector<10000x1xf32>
    %mul3A = vector.broadcast %logistic3A_17 : vector<10000x1xf32> to vector<10000x128xf32>
    %mul3A_18 = arith.mulf %mul3A, %get3A_3 : vector<10000x128xf32>
    %reduce_sum3A_19 = arith.constant dense<0.000000e+00> : vector<128xf32>
    %reduce_sum3A_20 = vector.multi_reduction <add>, %mul3A_18, %reduce_sum3A_19 [0] : vector<10000x128xf32> to vector<128xf32>
    %broadcast_in_dim3A_21 = vector.shape_cast %reduce_sum3A_20 : vector<128xf32> to vector<1x128xf32>
    %broadcast_in_dim3A_22 = vector.shape_cast %broadcast_in_dim3A_21 : vector<1x128xf32> to vector<1x128xf32>
    %broadcast_in_dim3A_23 = vector.broadcast %broadcast_in_dim3A_22 : vector<1x128xf32> to vector<8x128xf32>
    %swap3A = arith.constant 0 : index
    %swap3A_24 = arith.constant 0 : index
    %swap3A_25 = vector.load %arg3[%swap3A, %swap3A_24] : memref<8x128xf32, #tpu.memory_space<vmem>>, vector<8x128xf32>
    tpu.vector_store %arg3[%swap3A, %swap3A_24], %broadcast_in_dim3A_23 {strides = array<i32>} : memref<8x128xf32, #tpu.memory_space<vmem>>, vector<8x128xf32>,
    return
  }
  func.func @transform_0(%arg0: i32) -> (i32, i32, i32) {
    %c0_i32 = arith.constant 0 : i32
    %c0_i32_0 = arith.constant 0 : i32
    %c0_i32_1 = arith.constant 0 : i32
    return %arg0, %c0_i32, %c0_i32_0 : i32, i32, i32
  }
  func.func @transform_1(%arg0: i32) -> (i32, i32) {
    %c0_i32 = arith.constant 0 : i32
    %c0_i32_0 = arith.constant 0 : i32
    %c0_i32_1 = arith.constant 0 : i32
    return %c0_i32, %c0_i32_0 : i32, i32
  }
  func.func @transform_2(%arg0: i32) -> (i32, i32) {
    %c0_i32 = arith.constant 0 : i32
    %c0_i32_0 = arith.constant 0 : i32
    return %arg0, %c0_i32 : i32, i32
  }
}

module attributes {stable_mosaic.version = 14 : i64} {
  func.func @_head_body(%arg0: memref<1x128xf32, #tpu.memory_space<vmem>>, %arg1: memref<1x2048xf32, #tpu.memory_space<vmem>>, %arg2: memref<1x256xf32, #tpu.memory_space<vmem>>, %arg3: memref<128x2048xf32, #tpu.memory_space<vmem>>, %arg4: memref<2048x16xf32, #tpu.memory_space<vmem>>, %arg5: memref<256x16xf32, #tpu.memory_space<vmem>>, %arg6: memref<1x16xf32, #tpu.memory_space<vmem>>, %arg7: memref<16x32xf32, #tpu.memory_space<vmem>>, %arg8: memref<1x32xf32, #tpu.memory_space<vmem>>, %arg9: memref<32x16xf32, #tpu.memory_space<vmem>>, %arg10: memref<1x16xf32, #tpu.memory_space<vmem>>, %arg11: memref<16x8xf32, #tpu.memory_space<vmem>>, %arg12: memref<1x8xf32, #tpu.memory_space<vmem>>, %arg13: memref<8x4xf32, #tpu.memory_space<vmem>>, %arg14: memref<1x4xf32, #tpu.memory_space<vmem>>, %arg15: memref<4x1xf32, #tpu.memory_space<vmem>>, %arg16: memref<1x1xf32, #tpu.memory_space<vmem>>, %arg17: memref<1x1xf32, #tpu.memory_space<vmem>>) attributes {dimension_semantics = [], scalar_prefetch = 0 : i64, scratch_operands = 0 : i64, tpu.core_type = #tpu.core_type<tc>} {
    %get3A = arith.constant 0 : index
    %get3A_0 = arith.constant 0 : index
    %get3A_1 = vector.load %arg0[%get3A, %get3A_0] : memref<1x128xf32, #tpu.memory_space<vmem>>, vector<1x128xf32>
    %get3A_2 = arith.constant 0 : index
    %get3A_3 = arith.constant 0 : index
    %get3A_4 = vector.load %arg3[%get3A_2, %get3A_3] : memref<128x2048xf32, #tpu.memory_space<vmem>>, vector<128x2048xf32>
    %dot_general3A = arith.constant dense<0.000000e+00> : vector<1x2048xf32>
    %dot_general3A_5 = tpu.matmul %get3A_1, %get3A_4, %dot_general3A {dimension_numbers = #tpu.dot_dimension_numbers<[1], [0], [0], [1], [0, 0, 1, 1], [], []>, precision = #tpu.contract_precision<fp32>, transpose_lhs_hint = false} : vector<1x128xf32>, vector<128x2048xf32>, vector<1x2048xf32> -> vector<1x2048xf32>
    %get3A_6 = arith.constant 0 : index
    %get3A_7 = arith.constant 0 : index
    %get3A_8 = vector.load %arg1[%get3A_6, %get3A_7] : memref<1x2048xf32, #tpu.memory_space<vmem>>, vector<1x2048xf32>
    %mul3A = arith.mulf %dot_general3A_5, %get3A_8 : vector<1x2048xf32>
    %get3A_9 = arith.constant 0 : index
    %get3A_10 = arith.constant 0 : index
    %get3A_11 = vector.load %arg4[%get3A_9, %get3A_10] : memref<2048x16xf32, #tpu.memory_space<vmem>>, vector<2048x16xf32>
    %dot_general3A_12 = arith.constant dense<0.000000e+00> : vector<1x16xf32>
    %dot_general3A_13 = tpu.matmul %mul3A, %get3A_11, %dot_general3A_12 {dimension_numbers = #tpu.dot_dimension_numbers<[1], [0], [0], [1], [0, 0, 1, 1], [], []>, precision = #tpu.contract_precision<fp32>, transpose_lhs_hint = false} : vector<1x2048xf32>, vector<2048x16xf32>, vector<1x16xf32> -> vector<1x16xf32>
    %get3A_14 = arith.constant 0 : index
    %get3A_15 = arith.constant 0 : index
    %get3A_16 = vector.load %arg2[%get3A_14, %get3A_15] : memref<1x256xf32, #tpu.memory_space<vmem>>, vector<1x256xf32>
    %get3A_17 = arith.constant 0 : index
    %get3A_18 = arith.constant 0 : index
    %get3A_19 = vector.load %arg5[%get3A_17, %get3A_18] : memref<256x16xf32, #tpu.memory_space<vmem>>, vector<256x16xf32>
    %dot_general3A_20 = arith.constant dense<0.000000e+00> : vector<1x16xf32>
    %dot_general3A_21 = tpu.matmul %get3A_16, %get3A_19, %dot_general3A_20 {dimension_numbers = #tpu.dot_dimension_numbers<[1], [0], [0], [1], [0, 0, 1, 1], [], []>, precision = #tpu.contract_precision<fp32>, transpose_lhs_hint = false} : vector<1x256xf32>, vector<256x16xf32>, vector<1x16xf32> -> vector<1x16xf32>
    %add3A = arith.addf %dot_general3A_13, %dot_general3A_21 : vector<1x16xf32>
    %get3A_22 = arith.constant 0 : index
    %get3A_23 = arith.constant 0 : index
    %get3A_24 = vector.load %arg6[%get3A_22, %get3A_23] : memref<1x16xf32, #tpu.memory_space<vmem>>, vector<1x16xf32>
    %add3A_25 = arith.addf %add3A, %get3A_24 : vector<1x16xf32>
    %tanh3A = math.tanh %add3A_25 : vector<1x16xf32>
    %get3A_26 = arith.constant 0 : index
    %get3A_27 = arith.constant 0 : index
    %get3A_28 = vector.load %arg7[%get3A_26, %get3A_27] : memref<16x32xf32, #tpu.memory_space<vmem>>, vector<16x32xf32>
    %dot_general3A_29 = arith.constant dense<0.000000e+00> : vector<1x32xf32>
    %dot_general3A_30 = tpu.matmul %tanh3A, %get3A_28, %dot_general3A_29 {dimension_numbers = #tpu.dot_dimension_numbers<[1], [0], [0], [1], [0, 0, 1, 1], [], []>, precision = #tpu.contract_precision<fp32>, transpose_lhs_hint = false} : vector<1x16xf32>, vector<16x32xf32>, vector<1x32xf32> -> vector<1x32xf32>
    %get3A_31 = arith.constant 0 : index
    %get3A_32 = arith.constant 0 : index
    %get3A_33 = vector.load %arg8[%get3A_31, %get3A_32] : memref<1x32xf32, #tpu.memory_space<vmem>>, vector<1x32xf32>
    %add3A_34 = arith.addf %dot_general3A_30, %get3A_33 : vector<1x32xf32>
    %max3A = arith.constant 0.000000e+00 : f32
    %max3A_35 = vector.broadcast %max3A : f32 to vector<1x32xf32>
    %max3A_36 = arith.maximumf %add3A_34, %max3A_35 : vector<1x32xf32>
    %get3A_37 = arith.constant 0 : index
    %get3A_38 = arith.constant 0 : index
    %get3A_39 = vector.load %arg9[%get3A_37, %get3A_38] : memref<32x16xf32, #tpu.memory_space<vmem>>, vector<32x16xf32>
    %dot_general3A_40 = arith.constant dense<0.000000e+00> : vector<1x16xf32>
    %dot_general3A_41 = tpu.matmul %max3A_36, %get3A_39, %dot_general3A_40 {dimension_numbers = #tpu.dot_dimension_numbers<[1], [0], [0], [1], [0, 0, 1, 1], [], []>, precision = #tpu.contract_precision<fp32>, transpose_lhs_hint = false} : vector<1x32xf32>, vector<32x16xf32>, vector<1x16xf32> -> vector<1x16xf32>
    %get3A_42 = arith.constant 0 : index
    %get3A_43 = arith.constant 0 : index
    %get3A_44 = vector.load %arg10[%get3A_42, %get3A_43] : memref<1x16xf32, #tpu.memory_space<vmem>>, vector<1x16xf32>
    %add3A_45 = arith.addf %dot_general3A_41, %get3A_44 : vector<1x16xf32>
    %max3A_46 = arith.constant 0.000000e+00 : f32
    %max3A_47 = vector.broadcast %max3A_46 : f32 to vector<1x16xf32>
    %max3A_48 = arith.maximumf %add3A_45, %max3A_47 : vector<1x16xf32>
    %get3A_49 = arith.constant 0 : index
    %get3A_50 = arith.constant 0 : index
    %get3A_51 = vector.load %arg11[%get3A_49, %get3A_50] : memref<16x8xf32, #tpu.memory_space<vmem>>, vector<16x8xf32>
    %dot_general3A_52 = arith.constant dense<0.000000e+00> : vector<1x8xf32>
    %dot_general3A_53 = tpu.matmul %max3A_48, %get3A_51, %dot_general3A_52 {dimension_numbers = #tpu.dot_dimension_numbers<[1], [0], [0], [1], [0, 0, 1, 1], [], []>, precision = #tpu.contract_precision<fp32>, transpose_lhs_hint = false} : vector<1x16xf32>, vector<16x8xf32>, vector<1x8xf32> -> vector<1x8xf32>
    %get3A_54 = arith.constant 0 : index
    %get3A_55 = arith.constant 0 : index
    %get3A_56 = vector.load %arg12[%get3A_54, %get3A_55] : memref<1x8xf32, #tpu.memory_space<vmem>>, vector<1x8xf32>
    %add3A_57 = arith.addf %dot_general3A_53, %get3A_56 : vector<1x8xf32>
    %max3A_58 = arith.constant 0.000000e+00 : f32
    %max3A_59 = vector.broadcast %max3A_58 : f32 to vector<1x8xf32>
    %max3A_60 = arith.maximumf %add3A_57, %max3A_59 : vector<1x8xf32>
    %get3A_61 = arith.constant 0 : index
    %get3A_62 = arith.constant 0 : index
    %get3A_63 = vector.load %arg13[%get3A_61, %get3A_62] : memref<8x4xf32, #tpu.memory_space<vmem>>, vector<8x4xf32>
    %dot_general3A_64 = arith.constant dense<0.000000e+00> : vector<1x4xf32>
    %dot_general3A_65 = tpu.matmul %max3A_60, %get3A_63, %dot_general3A_64 {dimension_numbers = #tpu.dot_dimension_numbers<[1], [0], [0], [1], [0, 0, 1, 1], [], []>, precision = #tpu.contract_precision<fp32>, transpose_lhs_hint = false} : vector<1x8xf32>, vector<8x4xf32>, vector<1x4xf32> -> vector<1x4xf32>
    %get3A_66 = arith.constant 0 : index
    %get3A_67 = arith.constant 0 : index
    %get3A_68 = vector.load %arg14[%get3A_66, %get3A_67] : memref<1x4xf32, #tpu.memory_space<vmem>>, vector<1x4xf32>
    %add3A_69 = arith.addf %dot_general3A_65, %get3A_68 : vector<1x4xf32>
    %max3A_70 = arith.constant 0.000000e+00 : f32
    %max3A_71 = vector.broadcast %max3A_70 : f32 to vector<1x4xf32>
    %max3A_72 = arith.maximumf %add3A_69, %max3A_71 : vector<1x4xf32>
    %get3A_73 = arith.constant 0 : index
    %get3A_74 = arith.constant 0 : index
    %get3A_75 = vector.load %arg15[%get3A_73, %get3A_74] : memref<4x1xf32, #tpu.memory_space<vmem>>, vector<4x1xf32>
    %dot_general3A_76 = arith.constant dense<0.000000e+00> : vector<1x1xf32>
    %dot_general3A_77 = tpu.matmul %max3A_72, %get3A_75, %dot_general3A_76 {dimension_numbers = #tpu.dot_dimension_numbers<[1], [0], [0], [1], [0, 0, 1, 1], [], []>, precision = #tpu.contract_precision<fp32>, transpose_lhs_hint = false} : vector<1x4xf32>, vector<4x1xf32>, vector<1x1xf32> -> vector<1x1xf32>
    %get3A_78 = arith.constant 0 : index
    %get3A_79 = arith.constant 0 : index
    %get3A_80 = vector.load %arg16[%get3A_78, %get3A_79] : memref<1x1xf32, #tpu.memory_space<vmem>>, vector<1x1xf32>
    %add3A_81 = arith.addf %dot_general3A_77, %get3A_80 : vector<1x1xf32>
    %logistic3A = arith.negf %add3A_81 : vector<1x1xf32>
    %logistic3A_82 = math.exp %logistic3A : vector<1x1xf32>
    %logistic3A_83 = arith.constant 1.000000e+00 : f32
    %logistic3A_84 = vector.broadcast %logistic3A_83 : f32 to vector<1x1xf32>
    %logistic3A_85 = arith.addf %logistic3A_84, %logistic3A_82 : vector<1x1xf32>
    %logistic3A_86 = arith.divf %logistic3A_84, %logistic3A_85 : vector<1x1xf32>
    %swap3A = arith.constant 0 : index
    %swap3A_87 = arith.constant 0 : index
    %swap3A_88 = vector.load %arg17[%swap3A, %swap3A_87] : memref<1x1xf32, #tpu.memory_space<vmem>>, vector<1x1xf32>
    tpu.vector_store %arg17[%swap3A, %swap3A_87], %logistic3A_86 {strides = array<i32>} : memref<1x1xf32, #tpu.memory_space<vmem>>, vector<1x1xf32>,
    return
  }
}

</mosaic_0001>

<sc_bundles>
// kernel: kernel.13.cloned.1.call-start
scs
__scs_entry_jumppad:
0x0: {  	(pc) =	sbr.rel $0x88, $3  }
0x1: {  	(tag) =	ssettag $0x0;
	lr =	simm.s32 $0x1  }
0x2: {  	[smem:$0x3F89] =	sst lr;
	_ =	strace $0xD0000000  }
0x3: {  	_ = 	snop  }
0x4: {  	_ = 	snop  }
0x5: {  	_ = 	snop  }
0x6: {  	_ = 	snop  }
0x7: {  	_ = 	snop  }
__scs_overlays_trampoline_lowered:
0x8: {  	[smem:$0x3F98] =	sst s0  }
0x9: {  	[smem:$0x3F99] =	sst s1  }
0xa: {  	[smem:$0x3F9A] =	sst s2  }
0xb: {  	[smem:$0x3F9B] =	sst s3  }
0xc: {  	[smem:$0x3F9C] =	sst s4  }
0xd: {  	[smem:$0x3F9D] =	sst s5  }
0xe: {  	[smem:$0x3F9E] =	sst s6  }
0xf: {  	[smem:$0x3F9F] =	sst s7  }
0x10: {  	[smem:$0x3FA0] =	sst s8  }
0x11: {  	[smem:$0x3FA1] =	sst s9;
	s0 =	simm.s32 @!p0 $0x0  }
0x12: {  	s1 =	sld [smem:$0x3F87];
	s0 =	simm.s32 @p0 $0x1  }
0x13: {  	[smem:$0x3FA2] =	sst s0;
	s0 =	simm.s32 @!p1 $0x0  }
0x14: {  	s2 =	sld [smem:$0x3F86];
	s0 =	simm.s32 @p1 $0x1  }
0x15: {  	[smem:$0x3FA3] =	sst s0;
	s0 =	simm.s32 @!p2 $0x0  }
0x16: {  	s3 =	sld [smem:$0x3FDB];
	s0 =	simm.s32 @p2 $0x1  }
0x17: {  	s4 =	simm.s32 $0x1BF5;
	[smem:$0x3FA5] =	sst s0  }
0x18: {  	s0 =	sld [smem:$0x3F88];
	_ =	swait.ge [sflag:s4], $0x0  }
0x19: {  	s7 =	sld [smem:$0x3F89]  }
0x1a: {  	s8 =	sadd.s32 $0xFFFFE003, lr  }
0x1b: {  	s9 =	sadd.s32 $0xFFFFFEF7, lr;
	s5 =	simm.s32 $0xFFFFFFFF;
	p2 =	slt.u32 s8, $0xFFFFF086  }
0x1c: {  	p1 =	slt.u32 s9, $0xF7A;
	s5 =	simm.s32 @!p2 $0x0  }
0x1d: {  	s5 =	simm.s32 @p1 $0x1;
	p0 =	seq.s32 s7, s2  }
0x1e: {  	s7 =	smul.u32 @!p0 $0xF7A, s2;
	p2 =	seq.s32 @!p0 s5, $0x0  }
0x1f: {  	s9 =	smul.u32 $0xF7A, s1;
	s8 =	simm.s32 @!p0 $0x1BF5;
	p2 =	por !p2, p0  }
0x20: {  	[sflag:s8] =	ssyncset.s32 @!p0 $0xFFFFF086;
	s6 =	sadd.s32 @!p0 s3, s7;
	s7 =	simm.s32 @!p0 $0x108  }
0x21: {  	s3 =	sadd.s32 s3, s9;
	s6 =	sadd.s32 @!p0 $0x88, s6;
	s7 =	simm.s32 @p2 $0x1082  }
0x22: {  	[simem:s7], [sflag:s8] =	dma.local @!p0 [hbm:s6], $0xF7A  }
0x23: {  	s9 =	sor.u32 $0xD0000000, s2;
	s6 =	simm.s32 $0x108;
	_ =	swait.ge @!p0 [sflag:s8], $0x0  }
0x24: {  	s3 =	sadd.s32 $0x88, s3;
	s6 =	simm.s32 @!p1 $0x1082;
	[sflag:s4] =	ssyncset.s32 $0xFFFFF086  }
0x25: {  	[simem:s6], [sflag:s4] =	dma.local [hbm:s3], $0xF7A  }
0x26: {  	[smem:$0x3F89] =	sst s1;
	(tag) =	ssettag s2;
	_ =	strace s9  }
0x27: {  	s1 =	sld [smem:$0x3F99]  }
0x28: {  	s2 =	sld [smem:$0x3F9A]  }
0x29: {  	s4 =	sld [smem:$0x3F9C]  }
0x2a: {  	p0 =	seq.s32 s5, $0x0;
	s5 =	sld [smem:$0x3F9D]  }
0x2b: {  	s6 =	sld [smem:$0x3F9E]  }
0x2c: {  	s7 =	sld [smem:$0x3F9F]  }
0x2d: {  	s3 =	simm.s32 $0x108;
	s8 =	sld [smem:$0x3FA0]  }
0x2e: {  	s3 =	simm.s32 @!p0 $0x1082;
	s9 =	sld [smem:$0x3FA1]  }
0x2f: {  	lr =	sadd.s32 s0, s3;
	s0 =	sld [smem:$0x3F98]  }
0x30: {  	s3 =	sld [smem:$0x3F9B]  }
0x31: {  	[smem:$0x3FA4] =	sst s10  }
0x32: {  	s10 =	sld [smem:$0x3FA2];
	_ =	sdelay $0x3  }
0x33: {  	p0 =	seq.s32 s10, $0x1;
	s10 =	sld [smem:$0x3FA4];
	_ =	sdelay $0x3  }
0x34: {  	[smem:$0x3FA4] =	sst s10  }
0x35: {  	s10 =	sld [smem:$0x3FA3];
	_ =	sdelay $0x3  }
0x36: {  	p1 =	seq.s32 s10, $0x1;
	s10 =	sld [smem:$0x3FA4];
	_ =	sdelay $0x3  }
0x37: {  	[smem:$0x3FA4] =	sst s10  }
0x38: {  	s10 =	sld [smem:$0x3FA5]  }
0x39: {  	_ = 	snop;
	(pc) =	sbr.ind lr, $3  }
0x3a: {  	_ = 	snop  }
0x3b: {  	_ = 	snop  }
0x3c: {  	p2 =	seq.s32 s10, $0x1;
	s10 =	sld [smem:$0x3FA4]  }
0x3d: {  	_ =	shalt  }
0x3e: {  	_ =	shalt  }
0x3f: {  	_ =	shalt  }
0x40: {  	_ =	shalt  }
0x41: {  	_ =	shalt  }
0x42: {  	_ =	shalt  }
0x43: {  	_ =	shalt  }
0x44: {  	_ =	shalt  }
0x45: {  	_ =	shalt  }
0x46: {  	_ =	shalt  }
0x47: {  	_ =	shalt  }
0x48: {  	_ =	shalt  }
0x49: {  	_ =	shalt  }
0x4a: {  	_ =	shalt  }
0x4b: {  	_ =	shalt  }
0x4c: {  	_ =	shalt  }
0x4d: {  	_ =	shalt  }
0x4e: {  	_ =	shalt  }
0x4f: {  	_ =	shalt  }
0x50: {  	_ =	shalt  }
0x51: {  	_ =	shalt  }
0x52: {  	_ =	shalt  }
0x53: {  	_ =	shalt  }
0x54: {  	_ =	shalt  }
0x55: {  	_ =	shalt  }
0x56: {  	_ =	shalt  }
0x57: {  	_ =	shalt  }
0x58: {  	_ =	shalt  }
0x59: {  	_ =	shalt  }
0x5a: {  	_ =	shalt  }
0x5b: {  	_ =	shalt  }
0x5c: {  	_ =	shalt  }
0x5d: {  	_ =	shalt  }
0x5e: {  	_ =	shalt  }
0x5f: {  	_ =	shalt  }
0x60: {  	_ =	shalt  }
0x61: {  	_ =	shalt  }
0x62: {  	_ =	shalt  }
0x63: {  	_ =	shalt  }
0x64: {  	_ =	shalt  }
0x65: {  	_ =	shalt  }
0x66: {  	_ =	shalt  }
0x67: {  	_ =	shalt  }
0x68: {  	_ =	shalt  }
0x69: {  	_ =	shalt  }
0x6a: {  	_ =	shalt  }
0x6b: {  	_ =	shalt  }
0x6c: {  	_ =	shalt  }
0x6d: {  	_ =	shalt  }
0x6e: {  	_ =	shalt  }
0x6f: {  	_ =	shalt  }
0x70: {  	_ =	shalt  }
0x71: {  	_ =	shalt  }
0x72: {  	_ =	shalt  }
0x73: {  	_ =	shalt  }
0x74: {  	_ =	shalt  }
0x75: {  	_ =	shalt  }
0x76: {  	_ =	shalt  }
0x77: {  	_ =	shalt  }
0x78: {  	_ =	shalt  }
0x79: {  	_ =	shalt  }
0x7a: {  	_ =	shalt  }
0x7b: {  	_ =	shalt  }
0x7c: {  	_ =	shalt  }
0x7d: {  	_ =	shalt  }
0x7e: {  	_ =	shalt  }
0x7f: {  	_ =	shalt  }
0x80: {  	_ =	shalt  }
0x81: {  	_ =	shalt  }
0x82: {  	_ =	shalt  }
0x83: {  	_ =	shalt  }
0x84: {  	_ =	shalt  }
0x85: {  	_ =	shalt  }
0x86: {  	_ =	shalt  }
0x87: {  	_ =	shalt  }
.Lfunc_end0:
.L_simem_size_0:
called_computation_lowered:
.L_overlay_start_0:
0x88: {  	s2 =	sld [smem:$0x3FD9]  }
0x89: {  	s3 =	sld [smem:$0x3FFE];
	_ =	sdelay $0x1  }
0x8a: {  	s1 =	srdreg.scid  }
0x8b: {  	s0 =	sand.u32 $0x1, s1  }
0x8c: {  	s16 =	sshll.u32 s0, $0xA;
	s2 =	sadd.s32 s3, s2  }
0x8d: {  	s2 =	sadd.s32 s2, s16  }
0x8e: {  	[smem:$0x3FB0] =	sst s2  }
0x8f: {  	_ = 	snop  }
0x90: {  	(tm) =	ssettm $0x1  }
0x91: {  	s17 =	sld [smem:$0x3FFB];
	_ =	sdelay $0x3  }
0x92: {  	_ =	strace s17  }
0x93: {  	s2 =	sld [smem:$0x3FFC];
	_ =	sdelay $0x3  }
0x94: {  	_ =	strace s2  }
0x95: {  	s2 =	sld [smem:$0x3FFD];
	_ =	sdelay $0x3  }
0x96: {  	_ =	strace s2  }
0x97: {  	_ =	strace $0x8FFFFFFF  }
0x98: {  	s18 =	sld [smem:$0x3FDB];
	_ =	sdelay $0x1  }
0x99: {  	s19 =	simm.s32 $_scs_section_size  }
0x9a: {  	s4 =	simm.s32 $_size__tile_overlayer_lowered;
	s5 =	simm.s32 $_tile_overlayer_lowered  }
0x9b: {  	s22 =	simm.s32 $0x1BFF;
	s21 =	sshll.u32 s5, $0x1;
	s2 =	sadd.s32 s19, s18  }
0x9c: {  	s6 =	simm.s32 $0x0;
	s20 =	sshll.u32 s4, $0x1;
	s4 =	sadd.s32 s21, s2  }
0x9d: {  	[timem:s6], [sflag:s22] =	dma.local [hbm:s4], s20  }
0x9e: {  	_ =	swait.ge [sflag:s22], s20  }
0x9f: {  	s3 =	ssub.s32 $0x0, s20;
	[sflag:s22] =	ssyncset.done $0x0  }
0xa0: {  	[sflag:s22] =	ssyncadd.s32 s3;
	_ =	sdelay $0x1  }
0xa1: {  	s23 =	simm.s32 $0x1B8B  }
0xa2: {  	_ =	swait.ge [sflag:s23], $0x1  }
0xa3: {  	[sflag:s23] =	ssyncset.done $0x0  }
0xa4: {  	s25 =	simm.s32 $0x1B8E;
	s24 =	sld [smem:$0x3FFE];
	[sflag:s23] =	ssyncadd.s32 $0xFFFFFFFF  }
0xa5: {  	s26 =	simm.s32 $execute0_lowered;
	[smem:$0x3FD2] =	sst s25  }
0xa6: {  	s4 =	sshll.u32 s26, $0x1;
	_ =	strace $0x80000046;
	[dreg:$0x1] =	wrdreg $0xFFFFFFFF  }
0xa7: {  	s28 =	simm.s32 $_size_execute0_lowered;
	s2 =	sadd.s32 s2, s4;
	[dreg:$0x0] =	wrdreg $0x0  }
0xa8: {  	s4 =	sshll.u32 s28, $0x1;
	[dreg:$0x2] =	wrdreg s2  }
0xa9: {  	[dreg:$0x3] =	wrdreg s4  }
0xaa: {  	[dreg:$0x4] =	wrdreg $0xC0  }
0xab: {  	_ =	task [dreg:s6], $0x5FFFF  }
0xac: {  	[dreg:$0x1] =	wrdreg $0xFFFFFFFF  }
0xad: {  	[dreg:$0x0] =	wrdreg $0x60  }
0xae: {  	[dreg:$0x2] =	wrdreg s24  }
0xaf: {  	[dreg:$0x3] =	wrdreg $0x9  }
0xb0: {  	_ =	task.clear_ibuf [dreg:s6], $0x4FFFF;
	_ =	strace $0x90000046  }
0xb1: {  	s29 =	simm.s32 $0x9;
	_ =	strace $0x80000048  }
0xb2: {  	_ =	swait.ge [sflag:s29], $0x1  }
0xb3: {  	[sflag:s29] =	ssyncadd.s32 $0xFFFFFFFF  }
0xb4: {  	_ =	strace $0x90000048  }
0xb5: {  	_ =	sfence  }
0xb6: {  	s30 =	sld [smem:$0x0];
	_ =	sdelay $0x2  }
0xb7: {  	s31 =	sshll.u32 s1, $0xD;
	s1 =	sshrl.u32 s1, $0x2  }
0xb8: {  	s3 =	sand.u32 $0x4000, s31;
	s1 =	sadd.s32 s1, s30  }
0xb9: {  	s0 =	sor.u32 s3, s0;
	s1 =	sshll.u32 s1, $0x11  }
0xba: {  	s0 =	sor.u32 s1, s0  }
0xbb: {  	s0 =	sadd.s32 $0x8F2B, s0  }
0xbc: {  	[sflag:s0] =	ssyncadd.remote.s32 $0x1  }
0xbd: {  	_ =	sfence.sel $0xFFFF  }
0xbe: {  	[dreg:$0x0] =	wrdreg $0xFFFFFFFF;
	(pc) =	sbr.abs _section_cstart, $3  }
0xbf: {  	[dreg:$0x1] =	wrdreg $0xFFFFFFFF  }
0xc0: {  	_ =	task.clear_ibuf [dreg:s6], $0x2FFFF;
	_ =	strace $0x9FFFFFFF  }
0xc1: {  	(tm) =	ssettm $0x7FFFFFFF  }
tec
execute0_lowered:
.L_overlay_start_1:
0x0: {  	(tag) =	ssettag $0x1  }
0x1: {  	s0 =	srdreg.scid  }
0x2: {  	s4 =	rddreg [dreg:$0x0];
	s1 =	stileid.u32;
	s3 =	sand.u32 $0x1, s0  }
0x3: {  	s2 =	simm.s32 $0x0;
	s9 =	simm.s32 $0x0;
	s5 =	sshll.u32 s3, $0x4  }
0x4: {  	s0 =	rddreg [dreg:$0x1];
	s7 =	ssub.s32 $0x2, s3;
	s5 =	sor.u32 s1, s5  }
0x5: {  	[smem:$0x7FF] =	sst s2;
	s8 =	sshrl.u32 s7, $0x1;
	s6 =	smul.u32 $0x500, s5  }
0x6: {  	_ =	strace $0x80000047;
	s3 =	sadd.s32 $0x3000, s4;
	s7 =	ssub.s32 s7, s8  }
0x7: {  	s8 =	simm.s32 $0xA00;
	s6 =	sadd.s32 s6, s4;
	s4 =	smul.u32 $0x4F00, s5  }
0x8: {  	v0 =	vimm.f32 $0.0e+00;
	v1 =	vimm.f32 $1.000000000e+00;
	s5 =	sadd.s32 $0x2A800, s6;
	s6 =	smax.u32 s7, $0x1;
	s7 =	simm.s32 $0x1  }
.LBB2_1:
0x9: {  	s10 =	simm.s32 $0x40;
	s11 =	simm.s32 $0x0  }
.LBB2_2:
0xa: {  	p0 =	sne.s32 s10, $0x9FC0;
	[tilespmem:s11+$0xA00] =	vst v0;
	s11 =	smov.u32 s10;
	s10 =	sadd.s32 $0x40, s10  }
.Ltmp0:
0xb: {  	(pc) =	sbr.rel @p0 .LBB2_2-.Ltmp0, $2  }
0xc: {  	_ =	sdelay $0x2  }
0xd: {  	s11 =	sshra.s32 s11, $0x2  }
0xe: {  	[tilespmem:s11+$0xA00] =	vst v0;
	s10 =	simm.s32 $0x0;
	s11 =	simm.s32 $0x0  }
.LBB2_4:
0xf: {  	s12 =	smul.u32 $0x9E0, s11;
	_ =	sdelay $0x1  }
0x10: {  	s12 =	sadd.s32 s4, s12  }
0x11: {  	s12 =	sshrl.u32 s12, $0x3  }
0x12: {  	s12 =	sadd.s32 s3, s12  }
0x13: {  	[tilespmem:s10], [sflag:$0x1] =	stream.linear.gather [hbm4b:s12+s10], $0x9E0, $0x38;
	[tilespmem:$0x3200] =	vst v63  }
0x14: {  	_ =	swait.ge [sflag:s7], $0x9E0  }
0x15: {  	[sflag:s7] =	ssyncset.done $0x0  }
0x16: {  	s13 =	simm.s32 $0x0;
	s12 =	simm.s32 $0x40;
	[sflag:s7] =	ssyncadd.s32 $0xFFFFF620  }
.LBB2_5:
0x17: {  	p0 =	sne.s32 s12, $0x2740;
	v2 =	vld [tilespmem:s13+$0x0];
	_ =	sdelay $0x3  }
.Ltmp1:
0x18: {  	(pc) =	sbr.rel @p0 .LBB2_5-.Ltmp1, $2  }
0x19: {  	_ =	sdelay $0x2  }
0x1a: {  	s13 =	sshra.s32 s12, $0x2;
	s12 =	sadd.s32 $0x40, s12;
	[tilespmem:v2+s8+$0x0] =	vst.idx.add.f32.msk $0xffff, v1  }
0x1b: {  	v2 =	vld [tilespmem:s13+$0x0];
	_ =	sdelay $0x1  }
0x1c: {  	s11 =	sadd.s32 $0x1, s11  }
0x1d: {  	p0 =	sne.s32 s11, $0x8  }
.Ltmp2:
0x1e: {  	_ = 	snop;
	(pc) =	sbr.rel @p0 .LBB2_4-.Ltmp2, $2  }
0x1f: {  	_ =	sdelay $0x2  }
0x20: {  	[tilespmem:v2+s8+$0x0] =	vst.idx.add.f32.msk $0xffff, v1  }
0x21: {  	s9 =	sadd.s32 $0x1, s9  }
0x22: {  	p0 =	sne.s32 s9, s6  }
.Ltmp3:
0x23: {  	_ = 	snop;
	(pc) =	sbr.rel @p0 .LBB2_1-.Ltmp3, $4  }
0x24: {  	[hbm4b:s5+s2] =	stream.linear.scatter [tilespmem:s8], [sflag:$0x1], $0x2800, $0x38;
	[tilespmem:$0x3200] =	vst v63  }
0x25: {  	_ =	swait.ge [sflag:s7], $0x2800  }
0x26: {  	[sflag:s7] =	ssyncset.done $0x0  }
0x27: {  	[sflag:s7] =	ssyncadd.s32 $0xFFFFD800  }
0x28: {  	_ =	sfence.sel $0x180000  }
0x29: {  	[bflag:$0x0] =	sbarrier.arrive $0xFFFF  }
0x2a: {  	p0 =	sne.s32 s1, $0x0;
	_ =	strace $0x90000047  }
0x2b: {  	s0 =	sadd.s32 @!p0 $0x100000, s0;
	[bflag:$0x2] =	sbarrier.arrive $0xFFFF  }
0x2c: {  	[sflag:s0] =	ssyncadd.tile.s32 @!p0 $0x1;
	_ =	shalt  }
.Lfunc_end2:
_tile_overlayer_lowered:
.L_overlay_start_2:
0x2d: {  	(tag) =	ssettag $0x2  }
0x2e: {  	s0 =	rddreg [dreg:$0x0];
	s2 =	stileid.u32  }
0x2f: {  	s1 =	rddreg [dreg:$0x1];
	p0 =	sne.s32 s2, $0x0  }
0x30: {  	s3 =	rddreg [dreg:$0x2];
	[bflag:$0x3] =	sbarrier.arrive $0xFFFF;
	s2 =	simm.s32 @!p0 $0x1C01  }
0x31: {  	[timem:s3], [sflag:s2] =	dma.local @!p0 [hbm:s0], s1  }
0x32: {  	s0 =	simm.s32 @!p0 $0x1  }
0x33: {  	_ =	swait.ge @!p0 [sflag:s0], s1  }
0x34: {  	s1 =	ssub.s32 @!p0 $0x0, s1;
	[sflag:s0] =	ssyncset.done @!p0 $0x0  }
0x35: {  	[sflag:s0] =	ssyncadd.s32 @!p0 s1  }
0x36: {  	[bflag:$0x3] =	sbarrier.arrive $0xFFFF  }
0x37: {  	_ =	shalt  }

// kernel: kernel.16.cloned.1.call-start
scs
__scs_entry_jumppad:
0x0: {  	(pc) =	sbr.rel $0x88, $3  }
0x1: {  	(tag) =	ssettag $0x0;
	lr =	simm.s32 $0x1  }
0x2: {  	[smem:$0x3F89] =	sst lr;
	_ =	strace $0xD0000000  }
0x3: {  	_ = 	snop  }
0x4: {  	_ = 	snop  }
0x5: {  	_ = 	snop  }
0x6: {  	_ = 	snop  }
0x7: {  	_ = 	snop  }
__scs_overlays_trampoline_lowered:
0x8: {  	[smem:$0x3F98] =	sst s0  }
0x9: {  	[smem:$0x3F99] =	sst s1  }
0xa: {  	[smem:$0x3F9A] =	sst s2  }
0xb: {  	[smem:$0x3F9B] =	sst s3  }
0xc: {  	[smem:$0x3F9C] =	sst s4  }
0xd: {  	[smem:$0x3F9D] =	sst s5  }
0xe: {  	[smem:$0x3F9E] =	sst s6  }
0xf: {  	[smem:$0x3F9F] =	sst s7  }
0x10: {  	[smem:$0x3FA0] =	sst s8  }
0x11: {  	[smem:$0x3FA1] =	sst s9;
	s0 =	simm.s32 @!p0 $0x0  }
0x12: {  	s1 =	sld [smem:$0x3F87];
	s0 =	simm.s32 @p0 $0x1  }
0x13: {  	[smem:$0x3FA2] =	sst s0;
	s0 =	simm.s32 @!p1 $0x0  }
0x14: {  	s2 =	sld [smem:$0x3F86];
	s0 =	simm.s32 @p1 $0x1  }
0x15: {  	[smem:$0x3FA3] =	sst s0;
	s0 =	simm.s32 @!p2 $0x0  }
0x16: {  	s3 =	sld [smem:$0x3FDB];
	s0 =	simm.s32 @p2 $0x1  }
0x17: {  	s4 =	simm.s32 $0x1BF5;
	[smem:$0x3FA5] =	sst s0  }
0x18: {  	s0 =	sld [smem:$0x3F88];
	_ =	swait.ge [sflag:s4], $0x0  }
0x19: {  	s7 =	sld [smem:$0x3F89]  }
0x1a: {  	s8 =	sadd.s32 $0xFFFFE003, lr  }
0x1b: {  	s9 =	sadd.s32 $0xFFFFFEF7, lr;
	s5 =	simm.s32 $0xFFFFFFFF;
	p2 =	slt.u32 s8, $0xFFFFF086  }
0x1c: {  	p1 =	slt.u32 s9, $0xF7A;
	s5 =	simm.s32 @!p2 $0x0  }
0x1d: {  	s5 =	simm.s32 @p1 $0x1;
	p0 =	seq.s32 s7, s2  }
0x1e: {  	s7 =	smul.u32 @!p0 $0xF7A, s2;
	p2 =	seq.s32 @!p0 s5, $0x0  }
0x1f: {  	s9 =	smul.u32 $0xF7A, s1;
	s8 =	simm.s32 @!p0 $0x1BF5;
	p2 =	por !p2, p0  }
0x20: {  	[sflag:s8] =	ssyncset.s32 @!p0 $0xFFFFF086;
	s6 =	sadd.s32 @!p0 s3, s7;
	s7 =	simm.s32 @!p0 $0x108  }
0x21: {  	s3 =	sadd.s32 s3, s9;
	s6 =	sadd.s32 @!p0 $0x88, s6;
	s7 =	simm.s32 @p2 $0x1082  }
0x22: {  	[simem:s7], [sflag:s8] =	dma.local @!p0 [hbm:s6], $0xF7A  }
0x23: {  	s9 =	sor.u32 $0xD0000000, s2;
	s6 =	simm.s32 $0x108;
	_ =	swait.ge @!p0 [sflag:s8], $0x0  }
0x24: {  	s3 =	sadd.s32 $0x88, s3;
	s6 =	simm.s32 @!p1 $0x1082;
	[sflag:s4] =	ssyncset.s32 $0xFFFFF086  }
0x25: {  	[simem:s6], [sflag:s4] =	dma.local [hbm:s3], $0xF7A  }
0x26: {  	[smem:$0x3F89] =	sst s1;
	(tag) =	ssettag s2;
	_ =	strace s9  }
0x27: {  	s1 =	sld [smem:$0x3F99]  }
0x28: {  	s2 =	sld [smem:$0x3F9A]  }
0x29: {  	s4 =	sld [smem:$0x3F9C]  }
0x2a: {  	p0 =	seq.s32 s5, $0x0;
	s5 =	sld [smem:$0x3F9D]  }
0x2b: {  	s6 =	sld [smem:$0x3F9E]  }
0x2c: {  	s7 =	sld [smem:$0x3F9F]  }
0x2d: {  	s3 =	simm.s32 $0x108;
	s8 =	sld [smem:$0x3FA0]  }
0x2e: {  	s3 =	simm.s32 @!p0 $0x1082;
	s9 =	sld [smem:$0x3FA1]  }
0x2f: {  	lr =	sadd.s32 s0, s3;
	s0 =	sld [smem:$0x3F98]  }
0x30: {  	s3 =	sld [smem:$0x3F9B]  }
0x31: {  	[smem:$0x3FA4] =	sst s10  }
0x32: {  	s10 =	sld [smem:$0x3FA2];
	_ =	sdelay $0x3  }
0x33: {  	p0 =	seq.s32 s10, $0x1;
	s10 =	sld [smem:$0x3FA4];
	_ =	sdelay $0x3  }
0x34: {  	[smem:$0x3FA4] =	sst s10  }
0x35: {  	s10 =	sld [smem:$0x3FA3];
	_ =	sdelay $0x3  }
0x36: {  	p1 =	seq.s32 s10, $0x1;
	s10 =	sld [smem:$0x3FA4];
	_ =	sdelay $0x3  }
0x37: {  	[smem:$0x3FA4] =	sst s10  }
0x38: {  	s10 =	sld [smem:$0x3FA5]  }
0x39: {  	_ = 	snop;
	(pc) =	sbr.ind lr, $3  }
0x3a: {  	_ = 	snop  }
0x3b: {  	_ = 	snop  }
0x3c: {  	p2 =	seq.s32 s10, $0x1;
	s10 =	sld [smem:$0x3FA4]  }
0x3d: {  	_ =	shalt  }
0x3e: {  	_ =	shalt  }
0x3f: {  	_ =	shalt  }
0x40: {  	_ =	shalt  }
0x41: {  	_ =	shalt  }
0x42: {  	_ =	shalt  }
0x43: {  	_ =	shalt  }
0x44: {  	_ =	shalt  }
0x45: {  	_ =	shalt  }
0x46: {  	_ =	shalt  }
0x47: {  	_ =	shalt  }
0x48: {  	_ =	shalt  }
0x49: {  	_ =	shalt  }
0x4a: {  	_ =	shalt  }
0x4b: {  	_ =	shalt  }
0x4c: {  	_ =	shalt  }
0x4d: {  	_ =	shalt  }
0x4e: {  	_ =	shalt  }
0x4f: {  	_ =	shalt  }
0x50: {  	_ =	shalt  }
0x51: {  	_ =	shalt  }
0x52: {  	_ =	shalt  }
0x53: {  	_ =	shalt  }
0x54: {  	_ =	shalt  }
0x55: {  	_ =	shalt  }
0x56: {  	_ =	shalt  }
0x57: {  	_ =	shalt  }
0x58: {  	_ =	shalt  }
0x59: {  	_ =	shalt  }
0x5a: {  	_ =	shalt  }
0x5b: {  	_ =	shalt  }
0x5c: {  	_ =	shalt  }
0x5d: {  	_ =	shalt  }
0x5e: {  	_ =	shalt  }
0x5f: {  	_ =	shalt  }
0x60: {  	_ =	shalt  }
0x61: {  	_ =	shalt  }
0x62: {  	_ =	shalt  }
0x63: {  	_ =	shalt  }
0x64: {  	_ =	shalt  }
0x65: {  	_ =	shalt  }
0x66: {  	_ =	shalt  }
0x67: {  	_ =	shalt  }
0x68: {  	_ =	shalt  }
0x69: {  	_ =	shalt  }
0x6a: {  	_ =	shalt  }
0x6b: {  	_ =	shalt  }
0x6c: {  	_ =	shalt  }
0x6d: {  	_ =	shalt  }
0x6e: {  	_ =	shalt  }
0x6f: {  	_ =	shalt  }
0x70: {  	_ =	shalt  }
0x71: {  	_ =	shalt  }
0x72: {  	_ =	shalt  }
0x73: {  	_ =	shalt  }
0x74: {  	_ =	shalt  }
0x75: {  	_ =	shalt  }
0x76: {  	_ =	shalt  }
0x77: {  	_ =	shalt  }
0x78: {  	_ =	shalt  }
0x79: {  	_ =	shalt  }
0x7a: {  	_ =	shalt  }
0x7b: {  	_ =	shalt  }
0x7c: {  	_ =	shalt  }
0x7d: {  	_ =	shalt  }
0x7e: {  	_ =	shalt  }
0x7f: {  	_ =	shalt  }
0x80: {  	_ =	shalt  }
0x81: {  	_ =	shalt  }
0x82: {  	_ =	shalt  }
0x83: {  	_ =	shalt  }
0x84: {  	_ =	shalt  }
0x85: {  	_ =	shalt  }
0x86: {  	_ =	shalt  }
0x87: {  	_ =	shalt  }
.Lfunc_end0:
.L_simem_size_0:
called_computation.1_lowered:
.L_overlay_start_0:
0x88: {  	s2 =	sld [smem:$0x3FD9]  }
0x89: {  	s3 =	sld [smem:$0x3FFE];
	_ =	sdelay $0x1  }
0x8a: {  	s1 =	srdreg.scid  }
0x8b: {  	s0 =	sand.u32 $0x1, s1  }
0x8c: {  	s16 =	sshll.u32 s0, $0xA;
	s2 =	sadd.s32 s3, s2  }
0x8d: {  	s2 =	sadd.s32 s2, s16  }
0x8e: {  	[smem:$0x3FB0] =	sst s2  }
0x8f: {  	_ = 	snop  }
0x90: {  	(tm) =	ssettm $0x1  }
0x91: {  	s17 =	sld [smem:$0x3FFB];
	_ =	sdelay $0x3  }
0x92: {  	_ =	strace s17  }
0x93: {  	s2 =	sld [smem:$0x3FFC];
	_ =	sdelay $0x3  }
0x94: {  	_ =	strace s2  }
0x95: {  	s2 =	sld [smem:$0x3FFD];
	_ =	sdelay $0x3  }
0x96: {  	_ =	strace s2  }
0x97: {  	_ =	strace $0x8FFFFFFF  }
0x98: {  	s18 =	sld [smem:$0x3FDB];
	_ =	sdelay $0x1  }
0x99: {  	s19 =	simm.s32 $_scs_section_size  }
0x9a: {  	s4 =	simm.s32 $_size__tile_overlayer_lowered;
	s5 =	simm.s32 $_tile_overlayer_lowered  }
0x9b: {  	s22 =	simm.s32 $0x1BFF;
	s21 =	sshll.u32 s5, $0x1;
	s2 =	sadd.s32 s19, s18  }
0x9c: {  	s6 =	simm.s32 $0x0;
	s20 =	sshll.u32 s4, $0x1;
	s4 =	sadd.s32 s21, s2  }
0x9d: {  	[timem:s6], [sflag:s22] =	dma.local [hbm:s4], s20  }
0x9e: {  	_ =	swait.ge [sflag:s22], s20  }
0x9f: {  	s3 =	ssub.s32 $0x0, s20;
	[sflag:s22] =	ssyncset.done $0x0  }
0xa0: {  	[sflag:s22] =	ssyncadd.s32 s3;
	_ =	sdelay $0x1  }
0xa1: {  	s23 =	simm.s32 $0x1B8B  }
0xa2: {  	_ =	swait.ge [sflag:s23], $0x1  }
0xa3: {  	[sflag:s23] =	ssyncset.done $0x0  }
0xa4: {  	s25 =	simm.s32 $0x1B8E;
	s24 =	sld [smem:$0x3FFE];
	[sflag:s23] =	ssyncadd.s32 $0xFFFFFFFF  }
0xa5: {  	s26 =	simm.s32 $execute0_lowered;
	[smem:$0x3FD2] =	sst s25  }
0xa6: {  	s4 =	sshll.u32 s26, $0x1;
	_ =	strace $0x80000049;
	[dreg:$0x1] =	wrdreg $0xFFFFFFFF  }
0xa7: {  	s28 =	simm.s32 $_size_execute0_lowered;
	s2 =	sadd.s32 s2, s4;
	[dreg:$0x0] =	wrdreg $0x0  }
0xa8: {  	s4 =	sshll.u32 s28, $0x1;
	[dreg:$0x2] =	wrdreg s2  }
0xa9: {  	[dreg:$0x3] =	wrdreg s4  }
0xaa: {  	[dreg:$0x4] =	wrdreg $0xC0  }
0xab: {  	_ =	task [dreg:s6], $0x5FFFF  }
0xac: {  	[dreg:$0x1] =	wrdreg $0xFFFFFFFF  }
0xad: {  	[dreg:$0x0] =	wrdreg $0x60  }
0xae: {  	[dreg:$0x2] =	wrdreg s24  }
0xaf: {  	[dreg:$0x3] =	wrdreg $0xBE000  }
0xb0: {  	[dreg:$0x4] =	wrdreg $0x9  }
0xb1: {  	_ =	task.clear_ibuf [dreg:s6], $0x5FFFF;
	_ =	strace $0x90000049  }
0xb2: {  	s29 =	simm.s32 $0x9;
	_ =	strace $0x8000004B  }
0xb3: {  	_ =	swait.ge [sflag:s29], $0x1  }
0xb4: {  	[sflag:s29] =	ssyncadd.s32 $0xFFFFFFFF  }
0xb5: {  	_ =	strace $0x9000004B  }
0xb6: {  	_ =	sfence  }
0xb7: {  	s30 =	sld [smem:$0x0];
	_ =	sdelay $0x2  }
0xb8: {  	s31 =	sshll.u32 s1, $0xD;
	s1 =	sshrl.u32 s1, $0x2  }
0xb9: {  	s3 =	sand.u32 $0x4000, s31;
	s1 =	sadd.s32 s1, s30  }
0xba: {  	s0 =	sor.u32 s3, s0;
	s1 =	sshll.u32 s1, $0x11  }
0xbb: {  	s0 =	sor.u32 s1, s0  }
0xbc: {  	s0 =	sadd.s32 $0x8F2B, s0  }
0xbd: {  	[sflag:s0] =	ssyncadd.remote.s32 $0x1  }
0xbe: {  	_ =	sfence.sel $0xFFFF  }
0xbf: {  	[dreg:$0x0] =	wrdreg $0xFFFFFFFF;
	(pc) =	sbr.abs _section_cstart, $3  }
0xc0: {  	[dreg:$0x1] =	wrdreg $0xFFFFFFFF  }
0xc1: {  	_ =	task.clear_ibuf [dreg:s6], $0x2FFFF;
	_ =	strace $0x9FFFFFFF  }
0xc2: {  	(tm) =	ssettm $0x7FFFFFFF  }
0xc3: {  	_ =	shalt  }
tec
execute0_lowered:
.L_overlay_start_1:
0x0: {  	(tag) =	ssettag $0x1  }
0x1: {  	s6 =	rddreg [dreg:$0x0]  }
0x2: {  	s0 =	srdreg.scid;
	s2 =	rddreg [dreg:$0x1]  }
0x3: {  	s3 =	simm.s32 $0x0;
	s14 =	simm.s32 $0x80;
	s15 =	simm.s32 $0x9E00  }
0x4: {  	s16 =	simm.s32 $0xAE00;
	s17 =	simm.s32 $0x1;
	s18 =	simm.s32 $0x2  }
0x5: {  	s19 =	simm.s32 $0x4E80;
	s5 =	sand.u32 $0x1, s0;
	s0 =	stileid.u32  }
0x6: {  	s20 =	simm.s32 $0x9D00;
	s21 =	simm.s32 $0x9D80;
	s8 =	smul.u32 $0xA000, s0  }
0x7: {  	s22 =	simm.s32 $0x0;
	[smem:$0x7FF] =	sst s3;
	s9 =	smul.u32 $0xA00, s0  }
0x8: {  	s4 =	sadd.s32 $0x8CA00, s6;
	s1 =	sshll.u32 s5, $0x4;
	s10 =	smul.u32 $0xA000, s5  }
0x9: {  	s5 =	ssub.s32 $0x2, s5;
	s12 =	sshll.u32 s0, $0x6;
	s1 =	sor.u32 s0, s1  }
0xa: {  	s30 =	sshrl.u32 s5, $0x1;
	s12 =	sor.u32 $0x1C03, s12;
	s7 =	smul.u32 $0x9E0, s1  }
0xb: {  	s1 =	rddreg [dreg:$0x2];
	_ =	strace $0x8000004A;
	s11 =	sshrl.u32 s8, $0x4  }
0xc: {  	s9 =	sadd.s32 s9, s10;
	s10 =	ssub.s32 s5, s30;
	s31 =	sshrl.u32 s8, $0x1  }
0xd: {  	s11 =	sadd.s32 s11, s6;
	s9 =	sadd.s32 s9, s6;
	s13 =	sadd.s32 s31, s2  }
0xe: {  	s7 =	sadd.s32 s7, s6;
	s8 =	sadd.s32 $0xA0400, s9;
	s9 =	smax.u32 s10, $0x1  }
0xf: {  	s10 =	simm.s32 $0x3;
	s13 =	sshrl.u32 s13, $0x3;
	s5 =	sadd.s32 $0x16C00, s7  }
0x10: {  	s6 =	sadd.s32 $0x3000, s7;
	s7 =	sadd.s32 $0x34800, s11;
	s11 =	simm.s32 $0x4F00  }
.LBB2_1:
0x11: {  	[tilespmem:s3], [sflag:$0x3] =	stream.linear.gather [hbm4b:s5+s3], $0x4F00, $0x38;
	[tilespmem:$0x10E00] =	vst v63  }
0x12: {  	_ =	swait.ge [sflag:s10], $0x4F00  }
0x13: {  	[sflag:s10] =	ssyncset.done $0x0  }
0x14: {  	[sflag:s10] =	ssyncadd.s32 $0xFFFFB100  }
0x15: {  	[tilespmem:s11], [sflag:$0x3] =	stream.linear.gather [hbm4b:s6+s3], $0x4F00, $0x38;
	[tilespmem:$0x10E00] =	vst v63  }
0x16: {  	_ =	swait.ge [sflag:s10], $0x4F00  }
0x17: {  	[sflag:s10] =	ssyncset.done $0x0  }
0x18: {  	[sflag:s10] =	ssyncadd.s32 $0xFFFFB100  }
0x19: {  	[spmem:s13], [sflag:s12] =	dma.local [hbm:s7], $0xA00  }
0x1a: {  	_ =	swait.ge [sflag:s10], $0xA00  }
0x1b: {  	[sflag:s10] =	ssyncset.done $0x0  }
0x1c: {  	[sflag:s10] =	ssyncadd.s32 $0xFFFFF600  }
0x1d: {  	[bflag:$0x0] =	sbarrier.arrive $0xFFFF  }
0x1e: {  	[tilespmem:s15], [sflag:$0x1] =	stream.indirect.gather [hbm4b:s4+s14], $0x20, s3, s14, $0xb8;
	[tilespmem:$0x10E00] =	vst v63  }
0x1f: {  	s23 =	simm.s32 $0x80  }
0x20: {  	[tilespmem:s16], [sflag:$0x2] =	stream.indirect.gather [hbm4b:s4+s14], $0x20, s23, s14, $0xb8;
	[tilespmem:$0x10E00] =	vst v63  }
0x21: {  	_ =	swait.ge [sflag:s17], $0x1000  }
0x22: {  	[sflag:s17] =	ssyncset.done $0x0  }
0x23: {  	s29 =	simm.s32 $0x4F00;
	[sflag:s17] =	ssyncadd.s32 $0xFFFFF000  }
0x24: {  	[spmem:s2] =	stream.indirect.scatter.add.bf16 [tilespmem:s15], [sflag:$0x3], $0x20, s29, s14, $0xb8;
	[tilespmem:$0x10E00] =	vst v63  }
0x25: {  	_ =	swait.ge [sflag:s10], $0x1000  }
0x26: {  	[sflag:s10] =	ssyncset.done $0x0  }
0x27: {  	s30 =	simm.s32 $0x100;
	[sflag:s10] =	ssyncadd.s32 $0xFFFFF000  }
0x28: {  	[tilespmem:s15], [sflag:$0x1] =	stream.indirect.gather [hbm4b:s4+s14], $0x20, s30, s14, $0xb8;
	[tilespmem:$0x10E00] =	vst v63  }
0x29: {  	_ =	swait.ge [sflag:s18], $0x1000  }
0x2a: {  	[sflag:s18] =	ssyncset.done $0x0  }
0x2b: {  	s31 =	simm.s32 $0x4F80;
	[sflag:s18] =	ssyncadd.s32 $0xFFFFF000  }
0x2c: {  	[spmem:s2] =	stream.indirect.scatter.add.bf16 [tilespmem:s16], [sflag:$0x3], $0x20, s31, s14, $0xb8;
	[tilespmem:$0x10E00] =	vst v63  }
0x2d: {  	_ =	swait.ge [sflag:s10], $0x1000  }
0x2e: {  	s24 =	simm.s32 $0x800;
	s23 =	simm.s32 $0x100;
	[sflag:s10] =	ssyncset.done $0x0  }
.LBB2_2:
0x2f: {  	s25 =	sadd.s32 $0x80, s23  }
0x30: {  	[sflag:s10] =	ssyncadd.s32 $0xFFFFF000;
	s26 =	smov.u32 s24;
	s28 =	sadd.s32 $0x400, s24  }
0x31: {  	[tilespmem:s16], [sflag:$0x2] =	stream.indirect.gather [hbm4b:s4+s14], $0x20, s25, s14, $0xb8;
	[tilespmem:$0x10E00] =	vst v63  }
0x32: {  	p0 =	sne.s32 s24, $0x13400;
	_ =	swait.ge [sflag:s17], $0x1000  }
0x33: {  	[sflag:s17] =	ssyncset.done $0x0  }
0x34: {  	s24 =	sadd.s32 $0x4F00, s23;
	[sflag:s17] =	ssyncadd.s32 $0xFFFFF000  }
0x35: {  	[spmem:s2] =	stream.indirect.scatter.add.bf16 [tilespmem:s15], [sflag:$0x3], $0x20, s24, s14, $0xb8;
	[tilespmem:$0x10E00] =	vst v63  }
0x36: {  	_ =	swait.ge [sflag:s10], $0x1000  }
0x37: {  	[sflag:s10] =	ssyncset.done $0x0  }
0x38: {  	s24 =	sadd.s32 $0x100, s23;
	[sflag:s10] =	ssyncadd.s32 $0xFFFFF000  }
0x39: {  	[tilespmem:s15], [sflag:$0x1] =	stream.indirect.gather [hbm4b:s4+s14], $0x20, s24, s14, $0xb8;
	[tilespmem:$0x10E00] =	vst v63  }
0x3a: {  	_ =	swait.ge [sflag:s18], $0x1000  }
.Ltmp0:
0x3b: {  	[sflag:s18] =	ssyncset.done $0x0;
	(pc) =	sbr.rel @p0 .LBB2_2-.Ltmp0, $4  }
0x3c: {  	s23 =	sadd.s32 $0x4F80, s23;
	[sflag:s18] =	ssyncadd.s32 $0xFFFFF000  }
0x3d: {  	[spmem:s2] =	stream.indirect.scatter.add.bf16 [tilespmem:s16], [sflag:$0x3], $0x20, s23, s14, $0xb8;
	[tilespmem:$0x10E00] =	vst v63  }
0x3e: {  	_ =	swait.ge [sflag:s10], $0x1000  }
0x3f: {  	s24 =	smov.u32 s28;
	s23 =	sshra.s32 s26, $0x2;
	[sflag:s10] =	ssyncset.done $0x0  }
0x40: {  	s24 =	sadd.s32 $0x80, s23;
	[sflag:s10] =	ssyncadd.s32 $0xFFFFF000  }
0x41: {  	[tilespmem:s16], [sflag:$0x2] =	stream.indirect.gather [hbm4b:s4+s14], $0x20, s24, s14, $0xb8;
	[tilespmem:$0x10E00] =	vst v63  }
0x42: {  	_ =	swait.ge [sflag:s17], $0x1000  }
0x43: {  	[sflag:s17] =	ssyncset.done $0x0  }
0x44: {  	s29 =	sadd.s32 $0x4F00, s23;
	[sflag:s17] =	ssyncadd.s32 $0xFFFFF000  }
0x45: {  	[spmem:s2] =	stream.indirect.scatter.add.bf16 [tilespmem:s15], [sflag:$0x3], $0x20, s29, s14, $0xb8;
	[tilespmem:$0x10E00] =	vst v63  }
0x46: {  	_ =	swait.ge [sflag:s10], $0x1000  }
0x47: {  	[sflag:s10] =	ssyncset.done $0x0  }
0x48: {  	s30 =	sadd.s32 $0x100, s23;
	[sflag:s10] =	ssyncadd.s32 $0xFFFFF000  }
0x49: {  	[tilespmem:s15], [sflag:$0x1] =	stream.indirect.gather [hbm4b:s4+s14], $0x20, s30, s14, $0xb8;
	[tilespmem:$0x10E00] =	vst v63  }
0x4a: {  	_ =	swait.ge [sflag:s18], $0x1000  }
0x4b: {  	[sflag:s18] =	ssyncset.done $0x0  }
0x4c: {  	s31 =	sadd.s32 $0x4F80, s23;
	[sflag:s18] =	ssyncadd.s32 $0xFFFFF000  }
0x4d: {  	[spmem:s2] =	stream.indirect.scatter.add.bf16 [tilespmem:s16], [sflag:$0x3], $0x20, s31, s14, $0xb8;
	[tilespmem:$0x10E00] =	vst v63  }
0x4e: {  	_ =	swait.ge [sflag:s10], $0x1000  }
0x4f: {  	[sflag:s10] =	ssyncset.done $0x0  }
0x50: {  	[sflag:s10] =	ssyncadd.s32 $0xFFFFF000  }
0x51: {  	[tilespmem:s16], [sflag:$0x2] =	stream.indirect.gather [hbm4b:s4+s14], $0x20, s19, s14, $0xb8;
	[tilespmem:$0x10E00] =	vst v63  }
0x52: {  	_ =	swait.ge [sflag:s17], $0x1000  }
0x53: {  	[sflag:s17] =	ssyncset.done $0x0  }
0x54: {  	[sflag:s17] =	ssyncadd.s32 $0xFFFFF000  }
0x55: {  	[spmem:s2] =	stream.indirect.scatter.add.bf16 [tilespmem:s15], [sflag:$0x3], $0x20, s20, s14, $0xb8;
	[tilespmem:$0x10E00] =	vst v63  }
0x56: {  	_ =	swait.ge [sflag:s10], $0x1000  }
0x57: {  	[sflag:s10] =	ssyncset.done $0x0  }
0x58: {  	[sflag:s10] =	ssyncadd.s32 $0xFFFFF000  }
0x59: {  	_ =	swait.ge [sflag:s18], $0x1000  }
0x5a: {  	[sflag:s18] =	ssyncset.done $0x0  }
0x5b: {  	[sflag:s18] =	ssyncadd.s32 $0xFFFFF000  }
0x5c: {  	[spmem:s2] =	stream.indirect.scatter.add.bf16 [tilespmem:s16], [sflag:$0x3], $0x20, s21, s14, $0xb8;
	[tilespmem:$0x10E00] =	vst v63  }
0x5d: {  	_ =	swait.ge [sflag:s10], $0x1000  }
0x5e: {  	s22 =	sadd.s32 $0x1, s22;
	[sflag:s10] =	ssyncset.done $0x0  }
0x5f: {  	p0 =	sne.s32 s22, s9;
	[sflag:s10] =	ssyncadd.s32 $0xFFFFF000  }
.Ltmp1:
0x60: {  	[bflag:$0x0] =	sbarrier.arrive $0xFFFF;
	(pc) =	sbr.rel @p0 .LBB2_1-.Ltmp1, $4  }
0x61: {  	[hbm:s8], [sflag:s12] =	dma.local [spmem:s13], $0xA00  }
0x62: {  	_ =	swait.ge [sflag:s10], $0xA00  }
0x63: {  	[sflag:s10] =	ssyncset.done $0x0  }
0x64: {  	[sflag:s10] =	ssyncadd.s32 $0xFFFFF600  }
0x65: {  	_ =	sfence.sel $0x180000  }
0x66: {  	[bflag:$0x0] =	sbarrier.arrive $0xFFFF  }
0x67: {  	p0 =	sne.s32 s0, $0x0;
	_ =	strace $0x9000004A  }
0x68: {  	s0 =	sadd.s32 @!p0 $0x100000, s1;
	[bflag:$0x2] =	sbarrier.arrive $0xFFFF  }
0x69: {  	[sflag:s0] =	ssyncadd.tile.s32 @!p0 $0x1;
	_ =	shalt  }
.Lfunc_end2:
_tile_overlayer_lowered:
.L_overlay_start_2:
0x6a: {  	(tag) =	ssettag $0x2  }
0x6b: {  	s0 =	rddreg [dreg:$0x0];
	s2 =	stileid.u32  }
0x6c: {  	s1 =	rddreg [dreg:$0x1];
	p0 =	sne.s32 s2, $0x0  }
0x6d: {  	s3 =	rddreg [dreg:$0x2];
	[bflag:$0x3] =	sbarrier.arrive $0xFFFF;
	s2 =	simm.s32 @!p0 $0x1C03  }
0x6e: {  	[timem:s3], [sflag:s2] =	dma.local @!p0 [hbm:s0], s1  }
0x6f: {  	s0 =	simm.s32 @!p0 $0x3  }
0x70: {  	_ =	swait.ge @!p0 [sflag:s0], s1  }
0x71: {  	s1 =	ssub.s32 @!p0 $0x0, s1;
	[sflag:s0] =	ssyncset.done @!p0 $0x0  }
0x72: {  	[sflag:s0] =	ssyncadd.s32 @!p0 s1  }
0x73: {  	[bflag:$0x3] =	sbarrier.arrive $0xFFFF  }
0x74: {  	_ =	shalt  }

// kernel: kernel.19.cloned.1.call-start
scs
__scs_entry_jumppad:
0x0: {  	(pc) =	sbr.rel $0x88, $3  }
0x1: {  	(tag) =	ssettag $0x0;
	lr =	simm.s32 $0x1  }
0x2: {  	[smem:$0x3F89] =	sst lr;
	_ =	strace $0xD0000000  }
0x3: {  	_ = 	snop  }
0x4: {  	_ = 	snop  }
0x5: {  	_ = 	snop  }
0x6: {  	_ = 	snop  }
0x7: {  	_ = 	snop  }
__scs_overlays_trampoline_lowered:
0x8: {  	[smem:$0x3F98] =	sst s0  }
0x9: {  	[smem:$0x3F99] =	sst s1  }
0xa: {  	[smem:$0x3F9A] =	sst s2  }
0xb: {  	[smem:$0x3F9B] =	sst s3  }
0xc: {  	[smem:$0x3F9C] =	sst s4  }
0xd: {  	[smem:$0x3F9D] =	sst s5  }
0xe: {  	[smem:$0x3F9E] =	sst s6  }
0xf: {  	[smem:$0x3F9F] =	sst s7  }
0x10: {  	[smem:$0x3FA0] =	sst s8  }
0x11: {  	[smem:$0x3FA1] =	sst s9;
	s0 =	simm.s32 @!p0 $0x0  }
0x12: {  	s1 =	sld [smem:$0x3F87];
	s0 =	simm.s32 @p0 $0x1  }
0x13: {  	[smem:$0x3FA2] =	sst s0;
	s0 =	simm.s32 @!p1 $0x0  }
0x14: {  	s2 =	sld [smem:$0x3F86];
	s0 =	simm.s32 @p1 $0x1  }
0x15: {  	[smem:$0x3FA3] =	sst s0;
	s0 =	simm.s32 @!p2 $0x0  }
0x16: {  	s3 =	sld [smem:$0x3FDB];
	s0 =	simm.s32 @p2 $0x1  }
0x17: {  	s4 =	simm.s32 $0x1BF5;
	[smem:$0x3FA5] =	sst s0  }
0x18: {  	s0 =	sld [smem:$0x3F88];
	_ =	swait.ge [sflag:s4], $0x0  }
0x19: {  	s7 =	sld [smem:$0x3F89]  }
0x1a: {  	s8 =	sadd.s32 $0xFFFFE003, lr  }
0x1b: {  	s9 =	sadd.s32 $0xFFFFFEF7, lr;
	s5 =	simm.s32 $0xFFFFFFFF;
	p2 =	slt.u32 s8, $0xFFFFF086  }
0x1c: {  	p1 =	slt.u32 s9, $0xF7A;
	s5 =	simm.s32 @!p2 $0x0  }
0x1d: {  	s5 =	simm.s32 @p1 $0x1;
	p0 =	seq.s32 s7, s2  }
0x1e: {  	s7 =	smul.u32 @!p0 $0xF7A, s2;
	p2 =	seq.s32 @!p0 s5, $0x0  }
0x1f: {  	s9 =	smul.u32 $0xF7A, s1;
	s8 =	simm.s32 @!p0 $0x1BF5;
	p2 =	por !p2, p0  }
0x20: {  	[sflag:s8] =	ssyncset.s32 @!p0 $0xFFFFF086;
	s6 =	sadd.s32 @!p0 s3, s7;
	s7 =	simm.s32 @!p0 $0x108  }
0x21: {  	s3 =	sadd.s32 s3, s9;
	s6 =	sadd.s32 @!p0 $0x88, s6;
	s7 =	simm.s32 @p2 $0x1082  }
0x22: {  	[simem:s7], [sflag:s8] =	dma.local @!p0 [hbm:s6], $0xF7A  }
0x23: {  	s9 =	sor.u32 $0xD0000000, s2;
	s6 =	simm.s32 $0x108;
	_ =	swait.ge @!p0 [sflag:s8], $0x0  }
0x24: {  	s3 =	sadd.s32 $0x88, s3;
	s6 =	simm.s32 @!p1 $0x1082;
	[sflag:s4] =	ssyncset.s32 $0xFFFFF086  }
0x25: {  	[simem:s6], [sflag:s4] =	dma.local [hbm:s3], $0xF7A  }
0x26: {  	[smem:$0x3F89] =	sst s1;
	(tag) =	ssettag s2;
	_ =	strace s9  }
0x27: {  	s1 =	sld [smem:$0x3F99]  }
0x28: {  	s2 =	sld [smem:$0x3F9A]  }
0x29: {  	s4 =	sld [smem:$0x3F9C]  }
0x2a: {  	p0 =	seq.s32 s5, $0x0;
	s5 =	sld [smem:$0x3F9D]  }
0x2b: {  	s6 =	sld [smem:$0x3F9E]  }
0x2c: {  	s7 =	sld [smem:$0x3F9F]  }
0x2d: {  	s3 =	simm.s32 $0x108;
	s8 =	sld [smem:$0x3FA0]  }
0x2e: {  	s3 =	simm.s32 @!p0 $0x1082;
	s9 =	sld [smem:$0x3FA1]  }
0x2f: {  	lr =	sadd.s32 s0, s3;
	s0 =	sld [smem:$0x3F98]  }
0x30: {  	s3 =	sld [smem:$0x3F9B]  }
0x31: {  	[smem:$0x3FA4] =	sst s10  }
0x32: {  	s10 =	sld [smem:$0x3FA2];
	_ =	sdelay $0x3  }
0x33: {  	p0 =	seq.s32 s10, $0x1;
	s10 =	sld [smem:$0x3FA4];
	_ =	sdelay $0x3  }
0x34: {  	[smem:$0x3FA4] =	sst s10  }
0x35: {  	s10 =	sld [smem:$0x3FA3];
	_ =	sdelay $0x3  }
0x36: {  	p1 =	seq.s32 s10, $0x1;
	s10 =	sld [smem:$0x3FA4];
	_ =	sdelay $0x3  }
0x37: {  	[smem:$0x3FA4] =	sst s10  }
0x38: {  	s10 =	sld [smem:$0x3FA5]  }
0x39: {  	_ = 	snop;
	(pc) =	sbr.ind lr, $3  }
0x3a: {  	_ = 	snop  }
0x3b: {  	_ = 	snop  }
0x3c: {  	p2 =	seq.s32 s10, $0x1;
	s10 =	sld [smem:$0x3FA4]  }
0x3d: {  	_ =	shalt  }
0x3e: {  	_ =	shalt  }
0x3f: {  	_ =	shalt  }
0x40: {  	_ =	shalt  }
0x41: {  	_ =	shalt  }
0x42: {  	_ =	shalt  }
0x43: {  	_ =	shalt  }
0x44: {  	_ =	shalt  }
0x45: {  	_ =	shalt  }
0x46: {  	_ =	shalt  }
0x47: {  	_ =	shalt  }
0x48: {  	_ =	shalt  }
0x49: {  	_ =	shalt  }
0x4a: {  	_ =	shalt  }
0x4b: {  	_ =	shalt  }
0x4c: {  	_ =	shalt  }
0x4d: {  	_ =	shalt  }
0x4e: {  	_ =	shalt  }
0x4f: {  	_ =	shalt  }
0x50: {  	_ =	shalt  }
0x51: {  	_ =	shalt  }
0x52: {  	_ =	shalt  }
0x53: {  	_ =	shalt  }
0x54: {  	_ =	shalt  }
0x55: {  	_ =	shalt  }
0x56: {  	_ =	shalt  }
0x57: {  	_ =	shalt  }
0x58: {  	_ =	shalt  }
0x59: {  	_ =	shalt  }
0x5a: {  	_ =	shalt  }
0x5b: {  	_ =	shalt  }
0x5c: {  	_ =	shalt  }
0x5d: {  	_ =	shalt  }
0x5e: {  	_ =	shalt  }
0x5f: {  	_ =	shalt  }
0x60: {  	_ =	shalt  }
0x61: {  	_ =	shalt  }
0x62: {  	_ =	shalt  }
0x63: {  	_ =	shalt  }
0x64: {  	_ =	shalt  }
0x65: {  	_ =	shalt  }
0x66: {  	_ =	shalt  }
0x67: {  	_ =	shalt  }
0x68: {  	_ =	shalt  }
0x69: {  	_ =	shalt  }
0x6a: {  	_ =	shalt  }
0x6b: {  	_ =	shalt  }
0x6c: {  	_ =	shalt  }
0x6d: {  	_ =	shalt  }
0x6e: {  	_ =	shalt  }
0x6f: {  	_ =	shalt  }
0x70: {  	_ =	shalt  }
0x71: {  	_ =	shalt  }
0x72: {  	_ =	shalt  }
0x73: {  	_ =	shalt  }
0x74: {  	_ =	shalt  }
0x75: {  	_ =	shalt  }
0x76: {  	_ =	shalt  }
0x77: {  	_ =	shalt  }
0x78: {  	_ =	shalt  }
0x79: {  	_ =	shalt  }
0x7a: {  	_ =	shalt  }
0x7b: {  	_ =	shalt  }
0x7c: {  	_ =	shalt  }
0x7d: {  	_ =	shalt  }
0x7e: {  	_ =	shalt  }
0x7f: {  	_ =	shalt  }
0x80: {  	_ =	shalt  }
0x81: {  	_ =	shalt  }
0x82: {  	_ =	shalt  }
0x83: {  	_ =	shalt  }
0x84: {  	_ =	shalt  }
0x85: {  	_ =	shalt  }
0x86: {  	_ =	shalt  }
0x87: {  	_ =	shalt  }
.Lfunc_end0:
.L_simem_size_0:
called_computation.2_lowered:
.L_overlay_start_0:
0x88: {  	s2 =	sld [smem:$0x3FD9]  }
0x89: {  	s3 =	sld [smem:$0x3FFE];
	_ =	sdelay $0x1  }
0x8a: {  	s1 =	srdreg.scid  }
0x8b: {  	s0 =	sand.u32 $0x1, s1  }
0x8c: {  	s16 =	sshll.u32 s0, $0xA;
	s2 =	sadd.s32 s3, s2  }
0x8d: {  	s2 =	sadd.s32 s2, s16  }
0x8e: {  	[smem:$0x3FB0] =	sst s2  }
0x8f: {  	_ = 	snop  }
0x90: {  	(tm) =	ssettm $0x1  }
0x91: {  	s17 =	sld [smem:$0x3FFB];
	_ =	sdelay $0x3  }
0x92: {  	_ =	strace s17  }
0x93: {  	s2 =	sld [smem:$0x3FFC];
	_ =	sdelay $0x3  }
0x94: {  	_ =	strace s2  }
0x95: {  	s2 =	sld [smem:$0x3FFD];
	_ =	sdelay $0x3  }
0x96: {  	_ =	strace s2  }
0x97: {  	_ =	strace $0x8FFFFFFF  }
0x98: {  	s18 =	sld [smem:$0x3FDB];
	_ =	sdelay $0x1  }
0x99: {  	s19 =	simm.s32 $_scs_section_size  }
0x9a: {  	s4 =	simm.s32 $_size__tile_overlayer_lowered;
	s5 =	simm.s32 $_tile_overlayer_lowered  }
0x9b: {  	s22 =	simm.s32 $0x1BFF;
	s21 =	sshll.u32 s5, $0x1;
	s2 =	sadd.s32 s19, s18  }
0x9c: {  	s6 =	simm.s32 $0x0;
	s20 =	sshll.u32 s4, $0x1;
	s4 =	sadd.s32 s21, s2  }
0x9d: {  	[timem:s6], [sflag:s22] =	dma.local [hbm:s4], s20  }
0x9e: {  	_ =	swait.ge [sflag:s22], s20  }
0x9f: {  	s3 =	ssub.s32 $0x0, s20;
	[sflag:s22] =	ssyncset.done $0x0  }
0xa0: {  	[sflag:s22] =	ssyncadd.s32 s3;
	_ =	sdelay $0x1  }
0xa1: {  	s23 =	simm.s32 $0x1B8B  }
0xa2: {  	_ =	swait.ge [sflag:s23], $0x1  }
0xa3: {  	[sflag:s23] =	ssyncset.done $0x0  }
0xa4: {  	s25 =	simm.s32 $0x1B8E;
	s24 =	sld [smem:$0x3FFE];
	[sflag:s23] =	ssyncadd.s32 $0xFFFFFFFF  }
0xa5: {  	s26 =	simm.s32 $execute0_lowered;
	[smem:$0x3FD2] =	sst s25  }
0xa6: {  	s4 =	sshll.u32 s26, $0x1;
	_ =	strace $0x8000004C;
	[dreg:$0x1] =	wrdreg $0xFFFFFFFF  }
0xa7: {  	s28 =	simm.s32 $_size_execute0_lowered;
	s2 =	sadd.s32 s2, s4;
	[dreg:$0x0] =	wrdreg $0x0  }
0xa8: {  	s4 =	sshll.u32 s28, $0x1;
	[dreg:$0x2] =	wrdreg s2  }
0xa9: {  	[dreg:$0x3] =	wrdreg s4  }
0xaa: {  	[dreg:$0x4] =	wrdreg $0xC0  }
0xab: {  	_ =	task [dreg:s6], $0x5FFFF  }
0xac: {  	[dreg:$0x1] =	wrdreg $0xFFFFFFFF  }
0xad: {  	[dreg:$0x0] =	wrdreg $0x60  }
0xae: {  	[dreg:$0x2] =	wrdreg s24  }
0xaf: {  	[dreg:$0x3] =	wrdreg $0xAE000  }
0xb0: {  	[dreg:$0x4] =	wrdreg $0x9  }
0xb1: {  	_ =	task.clear_ibuf [dreg:s6], $0x5FFFF;
	_ =	strace $0x9000004C  }
0xb2: {  	s29 =	simm.s32 $0x9;
	_ =	strace $0x8000004E  }
0xb3: {  	_ =	swait.ge [sflag:s29], $0x1  }
0xb4: {  	[sflag:s29] =	ssyncadd.s32 $0xFFFFFFFF  }
0xb5: {  	_ =	strace $0x9000004E  }
0xb6: {  	_ =	sfence  }
0xb7: {  	s30 =	sld [smem:$0x0];
	_ =	sdelay $0x2  }
0xb8: {  	s31 =	sshll.u32 s1, $0xD;
	s1 =	sshrl.u32 s1, $0x2  }
0xb9: {  	s3 =	sand.u32 $0x4000, s31;
	s1 =	sadd.s32 s1, s30  }
0xba: {  	s0 =	sor.u32 s3, s0;
	s1 =	sshll.u32 s1, $0x11  }
0xbb: {  	s0 =	sor.u32 s1, s0  }
0xbc: {  	s0 =	sadd.s32 $0x8F2B, s0  }
0xbd: {  	[sflag:s0] =	ssyncadd.remote.s32 $0x1  }
0xbe: {  	_ =	sfence.sel $0xFFFF  }
0xbf: {  	[dreg:$0x0] =	wrdreg $0xFFFFFFFF;
	(pc) =	sbr.abs _section_cstart, $3  }
0xc0: {  	[dreg:$0x1] =	wrdreg $0xFFFFFFFF  }
0xc1: {  	_ =	task.clear_ibuf [dreg:s6], $0x2FFFF;
	_ =	strace $0x9FFFFFFF  }
0xc2: {  	(tm) =	ssettm $0x7FFFFFFF  }
0xc3: {  	_ =	shalt  }
tec
execute0_lowered:
.L_overlay_start_1:
0x0: {  	(tag) =	ssettag $0x1  }
0x1: {  	s6 =	rddreg [dreg:$0x0]  }
0x2: {  	s0 =	srdreg.scid;
	s2 =	rddreg [dreg:$0x1]  }
0x3: {  	s3 =	simm.s32 $0x0;
	s14 =	simm.s32 $0x80;
	s15 =	simm.s32 $0x9E00  }
0x4: {  	s16 =	simm.s32 $0xA600;
	s17 =	simm.s32 $0x1;
	s18 =	simm.s32 $0x2  }
0x5: {  	s19 =	simm.s32 $0x4E80;
	s5 =	sand.u32 $0x1, s0;
	s0 =	stileid.u32  }
0x6: {  	s20 =	simm.s32 $0x9D00;
	s21 =	simm.s32 $0x9D80;
	s8 =	smul.u32 $0x5000, s0  }
0x7: {  	s22 =	simm.s32 $0x0;
	[smem:$0x7FF] =	sst s3;
	s9 =	smul.u32 $0x500, s0  }
0x8: {  	s4 =	sadd.s32 $0x2F800, s6;
	s1 =	sshll.u32 s5, $0x4;
	s10 =	smul.u32 $0x5000, s5  }
0x9: {  	s5 =	ssub.s32 $0x2, s5;
	s12 =	sshll.u32 s0, $0x6;
	s1 =	sor.u32 s0, s1  }
0xa: {  	s30 =	sshrl.u32 s5, $0x1;
	s12 =	sor.u32 $0x1C03, s12;
	s7 =	smul.u32 $0x9E0, s1  }
0xb: {  	s1 =	rddreg [dreg:$0x2];
	_ =	strace $0x8000004D;
	s11 =	sshrl.u32 s8, $0x4  }
0xc: {  	s9 =	sadd.s32 s9, s10;
	s10 =	ssub.s32 s5, s30;
	s31 =	sshrl.u32 s8, $0x1  }
0xd: {  	s11 =	sadd.s32 s11, s6;
	s9 =	sadd.s32 s9, s6;
	s13 =	sadd.s32 s31, s2  }
0xe: {  	s7 =	sadd.s32 s7, s6;
	s8 =	sadd.s32 $0x8CA00, s9;
	s9 =	smax.u32 s10, $0x1  }
0xf: {  	s10 =	simm.s32 $0x3;
	s13 =	sshrl.u32 s13, $0x3;
	s5 =	sadd.s32 $0x16C00, s7  }
0x10: {  	s6 =	sadd.s32 $0x3000, s7;
	s7 =	sadd.s32 $0x2A800, s11;
	s11 =	simm.s32 $0x4F00  }
.LBB2_1:
0x11: {  	[tilespmem:s3], [sflag:$0x3] =	stream.linear.gather [hbm4b:s5+s3], $0x4F00, $0x38;
	[tilespmem:$0xD600] =	vst v63  }
0x12: {  	_ =	swait.ge [sflag:s10], $0x4F00  }
0x13: {  	[sflag:s10] =	ssyncset.done $0x0  }
0x14: {  	[sflag:s10] =	ssyncadd.s32 $0xFFFFB100  }
0x15: {  	[tilespmem:s11], [sflag:$0x3] =	stream.linear.gather [hbm4b:s6+s3], $0x4F00, $0x38;
	[tilespmem:$0xD600] =	vst v63  }
0x16: {  	_ =	swait.ge [sflag:s10], $0x4F00  }
0x17: {  	[sflag:s10] =	ssyncset.done $0x0  }
0x18: {  	[sflag:s10] =	ssyncadd.s32 $0xFFFFB100  }
0x19: {  	[spmem:s13], [sflag:s12] =	dma.local [hbm:s7], $0x500  }
0x1a: {  	_ =	swait.ge [sflag:s10], $0x500  }
0x1b: {  	[sflag:s10] =	ssyncset.done $0x0  }
0x1c: {  	[sflag:s10] =	ssyncadd.s32 $0xFFFFFB00  }
0x1d: {  	[bflag:$0x0] =	sbarrier.arrive $0xFFFF  }
0x1e: {  	[tilespmem:s15], [sflag:$0x1] =	stream.indirect.gather [hbm4b:s4+s14], $0x10, s3, s14, $0xb8;
	[tilespmem:$0xD600] =	vst v63  }
0x1f: {  	s23 =	simm.s32 $0x80  }
0x20: {  	[tilespmem:s16], [sflag:$0x2] =	stream.indirect.gather [hbm4b:s4+s14], $0x10, s23, s14, $0xb8;
	[tilespmem:$0xD600] =	vst v63  }
0x21: {  	_ =	swait.ge [sflag:s17], $0x800  }
0x22: {  	[sflag:s17] =	ssyncset.done $0x0  }
0x23: {  	s29 =	simm.s32 $0x4F00;
	[sflag:s17] =	ssyncadd.s32 $0xFFFFF800  }
0x24: {  	[spmem:s2] =	stream.indirect.scatter.add.bf16 [tilespmem:s15], [sflag:$0x3], $0x10, s29, s14, $0xb8;
	[tilespmem:$0xD600] =	vst v63  }
0x25: {  	_ =	swait.ge [sflag:s10], $0x800  }
0x26: {  	[sflag:s10] =	ssyncset.done $0x0  }
0x27: {  	s30 =	simm.s32 $0x100;
	[sflag:s10] =	ssyncadd.s32 $0xFFFFF800  }
0x28: {  	[tilespmem:s15], [sflag:$0x1] =	stream.indirect.gather [hbm4b:s4+s14], $0x10, s30, s14, $0xb8;
	[tilespmem:$0xD600] =	vst v63  }
0x29: {  	_ =	swait.ge [sflag:s18], $0x800  }
0x2a: {  	[sflag:s18] =	ssyncset.done $0x0  }
0x2b: {  	s31 =	simm.s32 $0x4F80;
	[sflag:s18] =	ssyncadd.s32 $0xFFFFF800  }
0x2c: {  	[spmem:s2] =	stream.indirect.scatter.add.bf16 [tilespmem:s16], [sflag:$0x3], $0x10, s31, s14, $0xb8;
	[tilespmem:$0xD600] =	vst v63  }
0x2d: {  	_ =	swait.ge [sflag:s10], $0x800  }
0x2e: {  	s24 =	simm.s32 $0x800;
	s23 =	simm.s32 $0x100;
	[sflag:s10] =	ssyncset.done $0x0  }
.LBB2_2:
0x2f: {  	s25 =	sadd.s32 $0x80, s23  }
0x30: {  	[sflag:s10] =	ssyncadd.s32 $0xFFFFF800;
	s26 =	smov.u32 s24;
	s28 =	sadd.s32 $0x400, s24  }
0x31: {  	[tilespmem:s16], [sflag:$0x2] =	stream.indirect.gather [hbm4b:s4+s14], $0x10, s25, s14, $0xb8;
	[tilespmem:$0xD600] =	vst v63  }
0x32: {  	p0 =	sne.s32 s24, $0x13400;
	_ =	swait.ge [sflag:s17], $0x800  }
0x33: {  	[sflag:s17] =	ssyncset.done $0x0  }
0x34: {  	s24 =	sadd.s32 $0x4F00, s23;
	[sflag:s17] =	ssyncadd.s32 $0xFFFFF800  }
0x35: {  	[spmem:s2] =	stream.indirect.scatter.add.bf16 [tilespmem:s15], [sflag:$0x3], $0x10, s24, s14, $0xb8;
	[tilespmem:$0xD600] =	vst v63  }
0x36: {  	_ =	swait.ge [sflag:s10], $0x800  }
0x37: {  	[sflag:s10] =	ssyncset.done $0x0  }
0x38: {  	s24 =	sadd.s32 $0x100, s23;
	[sflag:s10] =	ssyncadd.s32 $0xFFFFF800  }
0x39: {  	[tilespmem:s15], [sflag:$0x1] =	stream.indirect.gather [hbm4b:s4+s14], $0x10, s24, s14, $0xb8;
	[tilespmem:$0xD600] =	vst v63  }
0x3a: {  	_ =	swait.ge [sflag:s18], $0x800  }
.Ltmp0:
0x3b: {  	[sflag:s18] =	ssyncset.done $0x0;
	(pc) =	sbr.rel @p0 .LBB2_2-.Ltmp0, $4  }
0x3c: {  	s23 =	sadd.s32 $0x4F80, s23;
	[sflag:s18] =	ssyncadd.s32 $0xFFFFF800  }
0x3d: {  	[spmem:s2] =	stream.indirect.scatter.add.bf16 [tilespmem:s16], [sflag:$0x3], $0x10, s23, s14, $0xb8;
	[tilespmem:$0xD600] =	vst v63  }
0x3e: {  	_ =	swait.ge [sflag:s10], $0x800  }
0x3f: {  	s24 =	smov.u32 s28;
	s23 =	sshra.s32 s26, $0x2;
	[sflag:s10] =	ssyncset.done $0x0  }
0x40: {  	s24 =	sadd.s32 $0x80, s23;
	[sflag:s10] =	ssyncadd.s32 $0xFFFFF800  }
0x41: {  	[tilespmem:s16], [sflag:$0x2] =	stream.indirect.gather [hbm4b:s4+s14], $0x10, s24, s14, $0xb8;
	[tilespmem:$0xD600] =	vst v63  }
0x42: {  	_ =	swait.ge [sflag:s17], $0x800  }
0x43: {  	[sflag:s17] =	ssyncset.done $0x0  }
0x44: {  	s29 =	sadd.s32 $0x4F00, s23;
	[sflag:s17] =	ssyncadd.s32 $0xFFFFF800  }
0x45: {  	[spmem:s2] =	stream.indirect.scatter.add.bf16 [tilespmem:s15], [sflag:$0x3], $0x10, s29, s14, $0xb8;
	[tilespmem:$0xD600] =	vst v63  }
0x46: {  	_ =	swait.ge [sflag:s10], $0x800  }
0x47: {  	[sflag:s10] =	ssyncset.done $0x0  }
0x48: {  	s30 =	sadd.s32 $0x100, s23;
	[sflag:s10] =	ssyncadd.s32 $0xFFFFF800  }
0x49: {  	[tilespmem:s15], [sflag:$0x1] =	stream.indirect.gather [hbm4b:s4+s14], $0x10, s30, s14, $0xb8;
	[tilespmem:$0xD600] =	vst v63  }
0x4a: {  	_ =	swait.ge [sflag:s18], $0x800  }
0x4b: {  	[sflag:s18] =	ssyncset.done $0x0  }
0x4c: {  	s31 =	sadd.s32 $0x4F80, s23;
	[sflag:s18] =	ssyncadd.s32 $0xFFFFF800  }
0x4d: {  	[spmem:s2] =	stream.indirect.scatter.add.bf16 [tilespmem:s16], [sflag:$0x3], $0x10, s31, s14, $0xb8;
	[tilespmem:$0xD600] =	vst v63  }
0x4e: {  	_ =	swait.ge [sflag:s10], $0x800  }
0x4f: {  	[sflag:s10] =	ssyncset.done $0x0  }
0x50: {  	[sflag:s10] =	ssyncadd.s32 $0xFFFFF800  }
0x51: {  	[tilespmem:s16], [sflag:$0x2] =	stream.indirect.gather [hbm4b:s4+s14], $0x10, s19, s14, $0xb8;
	[tilespmem:$0xD600] =	vst v63  }
0x52: {  	_ =	swait.ge [sflag:s17], $0x800  }
0x53: {  	[sflag:s17] =	ssyncset.done $0x0  }
0x54: {  	[sflag:s17] =	ssyncadd.s32 $0xFFFFF800  }
0x55: {  	[spmem:s2] =	stream.indirect.scatter.add.bf16 [tilespmem:s15], [sflag:$0x3], $0x10, s20, s14, $0xb8;
	[tilespmem:$0xD600] =	vst v63  }
0x56: {  	_ =	swait.ge [sflag:s10], $0x800  }
0x57: {  	[sflag:s10] =	ssyncset.done $0x0  }
0x58: {  	[sflag:s10] =	ssyncadd.s32 $0xFFFFF800  }
0x59: {  	_ =	swait.ge [sflag:s18], $0x800  }
0x5a: {  	[sflag:s18] =	ssyncset.done $0x0  }
0x5b: {  	[sflag:s18] =	ssyncadd.s32 $0xFFFFF800  }
0x5c: {  	[spmem:s2] =	stream.indirect.scatter.add.bf16 [tilespmem:s16], [sflag:$0x3], $0x10, s21, s14, $0xb8;
	[tilespmem:$0xD600] =	vst v63  }
0x5d: {  	_ =	swait.ge [sflag:s10], $0x800  }
0x5e: {  	s22 =	sadd.s32 $0x1, s22;
	[sflag:s10] =	ssyncset.done $0x0  }
0x5f: {  	p0 =	sne.s32 s22, s9;
	[sflag:s10] =	ssyncadd.s32 $0xFFFFF800  }
.Ltmp1:
0x60: {  	[bflag:$0x0] =	sbarrier.arrive $0xFFFF;
	(pc) =	sbr.rel @p0 .LBB2_1-.Ltmp1, $4  }
0x61: {  	[hbm:s8], [sflag:s12] =	dma.local [spmem:s13], $0x500  }
0x62: {  	_ =	swait.ge [sflag:s10], $0x500  }
0x63: {  	[sflag:s10] =	ssyncset.done $0x0  }
0x64: {  	[sflag:s10] =	ssyncadd.s32 $0xFFFFFB00  }
0x65: {  	_ =	sfence.sel $0x180000  }
0x66: {  	[bflag:$0x0] =	sbarrier.arrive $0xFFFF  }
0x67: {  	p0 =	sne.s32 s0, $0x0;
	_ =	strace $0x9000004D  }
0x68: {  	s0 =	sadd.s32 @!p0 $0x100000, s1;
	[bflag:$0x2] =	sbarrier.arrive $0xFFFF  }
0x69: {  	[sflag:s0] =	ssyncadd.tile.s32 @!p0 $0x1;
	_ =	shalt  }
.Lfunc_end2:
_tile_overlayer_lowered:
.L_overlay_start_2:
0x6a: {  	(tag) =	ssettag $0x2  }
0x6b: {  	s0 =	rddreg [dreg:$0x0];
	s2 =	stileid.u32  }
0x6c: {  	s1 =	rddreg [dreg:$0x1];
	p0 =	sne.s32 s2, $0x0  }
0x6d: {  	s3 =	rddreg [dreg:$0x2];
	[bflag:$0x3] =	sbarrier.arrive $0xFFFF;
	s2 =	simm.s32 @!p0 $0x1C03  }
0x6e: {  	[timem:s3], [sflag:s2] =	dma.local @!p0 [hbm:s0], s1  }
0x6f: {  	s0 =	simm.s32 @!p0 $0x3  }
0x70: {  	_ =	swait.ge @!p0 [sflag:s0], s1  }
0x71: {  	s1 =	ssub.s32 @!p0 $0x0, s1;
	[sflag:s0] =	ssyncset.done @!p0 $0x0  }
0x72: {  	[sflag:s0] =	ssyncadd.s32 @!p0 s1  }
0x73: {  	[bflag:$0x3] =	sbarrier.arrive $0xFFFF  }
0x74: {  	_ =	shalt  }

// kernel: kernel.22.cloned.1.call-start
scs
__scs_entry_jumppad:
0x0: {  	(pc) =	sbr.rel $0x88, $3  }
0x1: {  	(tag) =	ssettag $0x0;
	lr =	simm.s32 $0x1  }
0x2: {  	[smem:$0x3F89] =	sst lr;
	_ =	strace $0xD0000000  }
0x3: {  	_ = 	snop  }
0x4: {  	_ = 	snop  }
0x5: {  	_ = 	snop  }
0x6: {  	_ = 	snop  }
0x7: {  	_ = 	snop  }
__scs_overlays_trampoline_lowered:
0x8: {  	[smem:$0x3F98] =	sst s0  }
0x9: {  	[smem:$0x3F99] =	sst s1  }
0xa: {  	[smem:$0x3F9A] =	sst s2  }
0xb: {  	[smem:$0x3F9B] =	sst s3  }
0xc: {  	[smem:$0x3F9C] =	sst s4  }
0xd: {  	[smem:$0x3F9D] =	sst s5  }
0xe: {  	[smem:$0x3F9E] =	sst s6  }
0xf: {  	[smem:$0x3F9F] =	sst s7  }
0x10: {  	[smem:$0x3FA0] =	sst s8  }
0x11: {  	[smem:$0x3FA1] =	sst s9;
	s0 =	simm.s32 @!p0 $0x0  }
0x12: {  	s1 =	sld [smem:$0x3F87];
	s0 =	simm.s32 @p0 $0x1  }
0x13: {  	[smem:$0x3FA2] =	sst s0;
	s0 =	simm.s32 @!p1 $0x0  }
0x14: {  	s2 =	sld [smem:$0x3F86];
	s0 =	simm.s32 @p1 $0x1  }
0x15: {  	[smem:$0x3FA3] =	sst s0;
	s0 =	simm.s32 @!p2 $0x0  }
0x16: {  	s3 =	sld [smem:$0x3FDB];
	s0 =	simm.s32 @p2 $0x1  }
0x17: {  	s4 =	simm.s32 $0x1BF5;
	[smem:$0x3FA5] =	sst s0  }
0x18: {  	s0 =	sld [smem:$0x3F88];
	_ =	swait.ge [sflag:s4], $0x0  }
0x19: {  	s7 =	sld [smem:$0x3F89]  }
0x1a: {  	s8 =	sadd.s32 $0xFFFFE003, lr  }
0x1b: {  	s9 =	sadd.s32 $0xFFFFFEF7, lr;
	s5 =	simm.s32 $0xFFFFFFFF;
	p2 =	slt.u32 s8, $0xFFFFF086  }
0x1c: {  	p1 =	slt.u32 s9, $0xF7A;
	s5 =	simm.s32 @!p2 $0x0  }
0x1d: {  	s5 =	simm.s32 @p1 $0x1;
	p0 =	seq.s32 s7, s2  }
0x1e: {  	s7 =	smul.u32 @!p0 $0xF7A, s2;
	p2 =	seq.s32 @!p0 s5, $0x0  }
0x1f: {  	s9 =	smul.u32 $0xF7A, s1;
	s8 =	simm.s32 @!p0 $0x1BF5;
	p2 =	por !p2, p0  }
0x20: {  	[sflag:s8] =	ssyncset.s32 @!p0 $0xFFFFF086;
	s6 =	sadd.s32 @!p0 s3, s7;
	s7 =	simm.s32 @!p0 $0x108  }
0x21: {  	s3 =	sadd.s32 s3, s9;
	s6 =	sadd.s32 @!p0 $0x88, s6;
	s7 =	simm.s32 @p2 $0x1082  }
0x22: {  	[simem:s7], [sflag:s8] =	dma.local @!p0 [hbm:s6], $0xF7A  }
0x23: {  	s9 =	sor.u32 $0xD0000000, s2;
	s6 =	simm.s32 $0x108;
	_ =	swait.ge @!p0 [sflag:s8], $0x0  }
0x24: {  	s3 =	sadd.s32 $0x88, s3;
	s6 =	simm.s32 @!p1 $0x1082;
	[sflag:s4] =	ssyncset.s32 $0xFFFFF086  }
0x25: {  	[simem:s6], [sflag:s4] =	dma.local [hbm:s3], $0xF7A  }
0x26: {  	[smem:$0x3F89] =	sst s1;
	(tag) =	ssettag s2;
	_ =	strace s9  }
0x27: {  	s1 =	sld [smem:$0x3F99]  }
0x28: {  	s2 =	sld [smem:$0x3F9A]  }
0x29: {  	s4 =	sld [smem:$0x3F9C]  }
0x2a: {  	p0 =	seq.s32 s5, $0x0;
	s5 =	sld [smem:$0x3F9D]  }
0x2b: {  	s6 =	sld [smem:$0x3F9E]  }
0x2c: {  	s7 =	sld [smem:$0x3F9F]  }
0x2d: {  	s3 =	simm.s32 $0x108;
	s8 =	sld [smem:$0x3FA0]  }
0x2e: {  	s3 =	simm.s32 @!p0 $0x1082;
	s9 =	sld [smem:$0x3FA1]  }
0x2f: {  	lr =	sadd.s32 s0, s3;
	s0 =	sld [smem:$0x3F98]  }
0x30: {  	s3 =	sld [smem:$0x3F9B]  }
0x31: {  	[smem:$0x3FA4] =	sst s10  }
0x32: {  	s10 =	sld [smem:$0x3FA2];
	_ =	sdelay $0x3  }
0x33: {  	p0 =	seq.s32 s10, $0x1;
	s10 =	sld [smem:$0x3FA4];
	_ =	sdelay $0x3  }
0x34: {  	[smem:$0x3FA4] =	sst s10  }
0x35: {  	s10 =	sld [smem:$0x3FA3];
	_ =	sdelay $0x3  }
0x36: {  	p1 =	seq.s32 s10, $0x1;
	s10 =	sld [smem:$0x3FA4];
	_ =	sdelay $0x3  }
0x37: {  	[smem:$0x3FA4] =	sst s10  }
0x38: {  	s10 =	sld [smem:$0x3FA5]  }
0x39: {  	_ = 	snop;
	(pc) =	sbr.ind lr, $3  }
0x3a: {  	_ = 	snop  }
0x3b: {  	_ = 	snop  }
0x3c: {  	p2 =	seq.s32 s10, $0x1;
	s10 =	sld [smem:$0x3FA4]  }
0x3d: {  	_ =	shalt  }
0x3e: {  	_ =	shalt  }
0x3f: {  	_ =	shalt  }
0x40: {  	_ =	shalt  }
0x41: {  	_ =	shalt  }
0x42: {  	_ =	shalt  }
0x43: {  	_ =	shalt  }
0x44: {  	_ =	shalt  }
0x45: {  	_ =	shalt  }
0x46: {  	_ =	shalt  }
0x47: {  	_ =	shalt  }
0x48: {  	_ =	shalt  }
0x49: {  	_ =	shalt  }
0x4a: {  	_ =	shalt  }
0x4b: {  	_ =	shalt  }
0x4c: {  	_ =	shalt  }
0x4d: {  	_ =	shalt  }
0x4e: {  	_ =	shalt  }
0x4f: {  	_ =	shalt  }
0x50: {  	_ =	shalt  }
0x51: {  	_ =	shalt  }
0x52: {  	_ =	shalt  }
0x53: {  	_ =	shalt  }
0x54: {  	_ =	shalt  }
0x55: {  	_ =	shalt  }
0x56: {  	_ =	shalt  }
0x57: {  	_ =	shalt  }
0x58: {  	_ =	shalt  }
0x59: {  	_ =	shalt  }
0x5a: {  	_ =	shalt  }
0x5b: {  	_ =	shalt  }
0x5c: {  	_ =	shalt  }
0x5d: {  	_ =	shalt  }
0x5e: {  	_ =	shalt  }
0x5f: {  	_ =	shalt  }
0x60: {  	_ =	shalt  }
0x61: {  	_ =	shalt  }
0x62: {  	_ =	shalt  }
0x63: {  	_ =	shalt  }
0x64: {  	_ =	shalt  }
0x65: {  	_ =	shalt  }
0x66: {  	_ =	shalt  }
0x67: {  	_ =	shalt  }
0x68: {  	_ =	shalt  }
0x69: {  	_ =	shalt  }
0x6a: {  	_ =	shalt  }
0x6b: {  	_ =	shalt  }
0x6c: {  	_ =	shalt  }
0x6d: {  	_ =	shalt  }
0x6e: {  	_ =	shalt  }
0x6f: {  	_ =	shalt  }
0x70: {  	_ =	shalt  }
0x71: {  	_ =	shalt  }
0x72: {  	_ =	shalt  }
0x73: {  	_ =	shalt  }
0x74: {  	_ =	shalt  }
0x75: {  	_ =	shalt  }
0x76: {  	_ =	shalt  }
0x77: {  	_ =	shalt  }
0x78: {  	_ =	shalt  }
0x79: {  	_ =	shalt  }
0x7a: {  	_ =	shalt  }
0x7b: {  	_ =	shalt  }
0x7c: {  	_ =	shalt  }
0x7d: {  	_ =	shalt  }
0x7e: {  	_ =	shalt  }
0x7f: {  	_ =	shalt  }
0x80: {  	_ =	shalt  }
0x81: {  	_ =	shalt  }
0x82: {  	_ =	shalt  }
0x83: {  	_ =	shalt  }
0x84: {  	_ =	shalt  }
0x85: {  	_ =	shalt  }
0x86: {  	_ =	shalt  }
0x87: {  	_ =	shalt  }
.Lfunc_end0:
.L_simem_size_0:
called_computation.3_lowered:
.L_overlay_start_0:
0x88: {  	s2 =	sld [smem:$0x3FD9]  }
0x89: {  	s3 =	sld [smem:$0x3FFE];
	_ =	sdelay $0x1  }
0x8a: {  	s1 =	srdreg.scid  }
0x8b: {  	s0 =	sand.u32 $0x1, s1  }
0x8c: {  	s16 =	sshll.u32 s0, $0xA;
	s2 =	sadd.s32 s3, s2  }
0x8d: {  	s2 =	sadd.s32 s2, s16  }
0x8e: {  	[smem:$0x3FB0] =	sst s2  }
0x8f: {  	_ = 	snop  }
0x90: {  	(tm) =	ssettm $0x1  }
0x91: {  	s17 =	sld [smem:$0x3FFB];
	_ =	sdelay $0x3  }
0x92: {  	_ =	strace s17  }
0x93: {  	s2 =	sld [smem:$0x3FFC];
	_ =	sdelay $0x3  }
0x94: {  	_ =	strace s2  }
0x95: {  	s2 =	sld [smem:$0x3FFD];
	_ =	sdelay $0x3  }
0x96: {  	_ =	strace s2  }
0x97: {  	_ =	strace $0x8FFFFFFF  }
0x98: {  	s18 =	sld [smem:$0x3FDB];
	_ =	sdelay $0x1  }
0x99: {  	s19 =	simm.s32 $_scs_section_size  }
0x9a: {  	s4 =	simm.s32 $_size__tile_overlayer_lowered;
	s5 =	simm.s32 $_tile_overlayer_lowered  }
0x9b: {  	s22 =	simm.s32 $0x1BFF;
	s21 =	sshll.u32 s5, $0x1;
	s2 =	sadd.s32 s19, s18  }
0x9c: {  	s6 =	simm.s32 $0x0;
	s20 =	sshll.u32 s4, $0x1;
	s4 =	sadd.s32 s21, s2  }
0x9d: {  	[timem:s6], [sflag:s22] =	dma.local [hbm:s4], s20  }
0x9e: {  	_ =	swait.ge [sflag:s22], s20  }
0x9f: {  	s3 =	ssub.s32 $0x0, s20;
	[sflag:s22] =	ssyncset.done $0x0  }
0xa0: {  	[sflag:s22] =	ssyncadd.s32 s3;
	_ =	sdelay $0x1  }
0xa1: {  	s23 =	simm.s32 $0x1B8B  }
0xa2: {  	_ =	swait.ge [sflag:s23], $0x1  }
0xa3: {  	[sflag:s23] =	ssyncset.done $0x0  }
0xa4: {  	s25 =	simm.s32 $0x1B8E;
	s24 =	sld [smem:$0x3FFE];
	[sflag:s23] =	ssyncadd.s32 $0xFFFFFFFF  }
0xa5: {  	s26 =	simm.s32 $execute0_lowered;
	[smem:$0x3FD2] =	sst s25  }
0xa6: {  	s4 =	sshll.u32 s26, $0x1;
	_ =	strace $0x8000004F;
	[dreg:$0x1] =	wrdreg $0xFFFFFFFF  }
0xa7: {  	s28 =	simm.s32 $_size_execute0_lowered;
	s2 =	sadd.s32 s2, s4;
	[dreg:$0x0] =	wrdreg $0x0  }
0xa8: {  	s4 =	sshll.u32 s28, $0x1;
	[dreg:$0x2] =	wrdreg s2  }
0xa9: {  	[dreg:$0x3] =	wrdreg s4  }
0xaa: {  	[dreg:$0x4] =	wrdreg $0xC0  }
0xab: {  	_ =	task [dreg:s6], $0x5FFFF  }
0xac: {  	[dreg:$0x1] =	wrdreg $0xFFFFFFFF  }
0xad: {  	[dreg:$0x0] =	wrdreg $0x60  }
0xae: {  	[dreg:$0x2] =	wrdreg s24  }
0xaf: {  	[dreg:$0x3] =	wrdreg $0xAE000  }
0xb0: {  	[dreg:$0x4] =	wrdreg $0x9  }
0xb1: {  	_ =	task.clear_ibuf [dreg:s6], $0x5FFFF;
	_ =	strace $0x9000004F  }
0xb2: {  	s29 =	simm.s32 $0x9;
	_ =	strace $0x80000051  }
0xb3: {  	_ =	swait.ge [sflag:s29], $0x1  }
0xb4: {  	[sflag:s29] =	ssyncadd.s32 $0xFFFFFFFF  }
0xb5: {  	_ =	strace $0x90000051  }
0xb6: {  	_ =	sfence  }
0xb7: {  	s30 =	sld [smem:$0x0];
	_ =	sdelay $0x2  }
0xb8: {  	s31 =	sshll.u32 s1, $0xD;
	s1 =	sshrl.u32 s1, $0x2  }
0xb9: {  	s3 =	sand.u32 $0x4000, s31;
	s1 =	sadd.s32 s1, s30  }
0xba: {  	s0 =	sor.u32 s3, s0;
	s1 =	sshll.u32 s1, $0x11  }
0xbb: {  	s0 =	sor.u32 s1, s0  }
0xbc: {  	s0 =	sadd.s32 $0x8F2B, s0  }
0xbd: {  	[sflag:s0] =	ssyncadd.remote.s32 $0x1  }
0xbe: {  	_ =	sfence.sel $0xFFFF  }
0xbf: {  	[dreg:$0x0] =	wrdreg $0xFFFFFFFF;
	(pc) =	sbr.abs _section_cstart, $3  }
0xc0: {  	[dreg:$0x1] =	wrdreg $0xFFFFFFFF  }
0xc1: {  	_ =	task.clear_ibuf [dreg:s6], $0x2FFFF;
	_ =	strace $0x9FFFFFFF  }
0xc2: {  	(tm) =	ssettm $0x7FFFFFFF  }
0xc3: {  	_ =	shalt  }
tec
execute0_lowered:
.L_overlay_start_1:
0x0: {  	(tag) =	ssettag $0x1  }
0x1: {  	s6 =	rddreg [dreg:$0x0]  }
0x2: {  	s0 =	srdreg.scid;
	s2 =	rddreg [dreg:$0x1]  }
0x3: {  	s3 =	simm.s32 $0x0;
	s14 =	simm.s32 $0x80;
	s15 =	simm.s32 $0x9E00  }
0x4: {  	s16 =	simm.s32 $0xA600;
	s17 =	simm.s32 $0x1;
	s18 =	simm.s32 $0x2  }
0x5: {  	s19 =	simm.s32 $0x4E80;
	s5 =	sand.u32 $0x1, s0;
	s0 =	stileid.u32  }
0x6: {  	s20 =	simm.s32 $0x9D00;
	s21 =	simm.s32 $0x9D80;
	s8 =	smul.u32 $0x5000, s0  }
0x7: {  	s22 =	simm.s32 $0x0;
	[smem:$0x7FF] =	sst s3;
	s9 =	smul.u32 $0x500, s0  }
0x8: {  	s4 =	sadd.s32 $0x2F800, s6;
	s1 =	sshll.u32 s5, $0x4;
	s10 =	smul.u32 $0x5000, s5  }
0x9: {  	s5 =	ssub.s32 $0x2, s5;
	s12 =	sshll.u32 s0, $0x6;
	s1 =	sor.u32 s0, s1  }
0xa: {  	s30 =	sshrl.u32 s5, $0x1;
	s12 =	sor.u32 $0x1C03, s12;
	s7 =	smul.u32 $0x9E0, s1  }
0xb: {  	s1 =	rddreg [dreg:$0x2];
	_ =	strace $0x80000050;
	s11 =	sshrl.u32 s8, $0x4  }
0xc: {  	s9 =	sadd.s32 s9, s10;
	s10 =	ssub.s32 s5, s30;
	s31 =	sshrl.u32 s8, $0x1  }
0xd: {  	s11 =	sadd.s32 s11, s6;
	s9 =	sadd.s32 s9, s6;
	s13 =	sadd.s32 s31, s2  }
0xe: {  	s7 =	sadd.s32 s7, s6;
	s8 =	sadd.s32 $0x8CA00, s9;
	s9 =	smax.u32 s10, $0x1  }
0xf: {  	s10 =	simm.s32 $0x3;
	s13 =	sshrl.u32 s13, $0x3;
	s5 =	sadd.s32 $0x16C00, s7  }
0x10: {  	s6 =	sadd.s32 $0x3000, s7;
	s7 =	sadd.s32 $0x2A800, s11;
	s11 =	simm.s32 $0x4F00  }
.LBB2_1:
0x11: {  	[tilespmem:s3], [sflag:$0x3] =	stream.linear.gather [hbm4b:s5+s3], $0x4F00, $0x38;
	[tilespmem:$0xD600] =	vst v63  }
0x12: {  	_ =	swait.ge [sflag:s10], $0x4F00  }
0x13: {  	[sflag:s10] =	ssyncset.done $0x0  }
0x14: {  	[sflag:s10] =	ssyncadd.s32 $0xFFFFB100  }
0x15: {  	[tilespmem:s11], [sflag:$0x3] =	stream.linear.gather [hbm4b:s6+s3], $0x4F00, $0x38;
	[tilespmem:$0xD600] =	vst v63  }
0x16: {  	_ =	swait.ge [sflag:s10], $0x4F00  }
0x17: {  	[sflag:s10] =	ssyncset.done $0x0  }
0x18: {  	[sflag:s10] =	ssyncadd.s32 $0xFFFFB100  }
0x19: {  	[spmem:s13], [sflag:s12] =	dma.local [hbm:s7], $0x500  }
0x1a: {  	_ =	swait.ge [sflag:s10], $0x500  }
0x1b: {  	[sflag:s10] =	ssyncset.done $0x0  }
0x1c: {  	[sflag:s10] =	ssyncadd.s32 $0xFFFFFB00  }
0x1d: {  	[bflag:$0x0] =	sbarrier.arrive $0xFFFF  }
0x1e: {  	[tilespmem:s15], [sflag:$0x1] =	stream.indirect.gather [hbm4b:s4+s14], $0x10, s3, s14, $0xb8;
	[tilespmem:$0xD600] =	vst v63  }
0x1f: {  	s23 =	simm.s32 $0x80  }
0x20: {  	[tilespmem:s16], [sflag:$0x2] =	stream.indirect.gather [hbm4b:s4+s14], $0x10, s23, s14, $0xb8;
	[tilespmem:$0xD600] =	vst v63  }
0x21: {  	_ =	swait.ge [sflag:s17], $0x800  }
0x22: {  	[sflag:s17] =	ssyncset.done $0x0  }
0x23: {  	s29 =	simm.s32 $0x4F00;
	[sflag:s17] =	ssyncadd.s32 $0xFFFFF800  }
0x24: {  	[spmem:s2] =	stream.indirect.scatter.add.bf16 [tilespmem:s15], [sflag:$0x3], $0x10, s29, s14, $0xb8;
	[tilespmem:$0xD600] =	vst v63  }
0x25: {  	_ =	swait.ge [sflag:s10], $0x800  }
0x26: {  	[sflag:s10] =	ssyncset.done $0x0  }
0x27: {  	s30 =	simm.s32 $0x100;
	[sflag:s10] =	ssyncadd.s32 $0xFFFFF800  }
0x28: {  	[tilespmem:s15], [sflag:$0x1] =	stream.indirect.gather [hbm4b:s4+s14], $0x10, s30, s14, $0xb8;
	[tilespmem:$0xD600] =	vst v63  }
0x29: {  	_ =	swait.ge [sflag:s18], $0x800  }
0x2a: {  	[sflag:s18] =	ssyncset.done $0x0  }
0x2b: {  	s31 =	simm.s32 $0x4F80;
	[sflag:s18] =	ssyncadd.s32 $0xFFFFF800  }
0x2c: {  	[spmem:s2] =	stream.indirect.scatter.add.bf16 [tilespmem:s16], [sflag:$0x3], $0x10, s31, s14, $0xb8;
	[tilespmem:$0xD600] =	vst v63  }
0x2d: {  	_ =	swait.ge [sflag:s10], $0x800  }
0x2e: {  	s24 =	simm.s32 $0x800;
	s23 =	simm.s32 $0x100;
	[sflag:s10] =	ssyncset.done $0x0  }
.LBB2_2:
0x2f: {  	s25 =	sadd.s32 $0x80, s23  }
0x30: {  	[sflag:s10] =	ssyncadd.s32 $0xFFFFF800;
	s26 =	smov.u32 s24;
	s28 =	sadd.s32 $0x400, s24  }
0x31: {  	[tilespmem:s16], [sflag:$0x2] =	stream.indirect.gather [hbm4b:s4+s14], $0x10, s25, s14, $0xb8;
	[tilespmem:$0xD600] =	vst v63  }
0x32: {  	p0 =	sne.s32 s24, $0x13400;
	_ =	swait.ge [sflag:s17], $0x800  }
0x33: {  	[sflag:s17] =	ssyncset.done $0x0  }
0x34: {  	s24 =	sadd.s32 $0x4F00, s23;
	[sflag:s17] =	ssyncadd.s32 $0xFFFFF800  }
0x35: {  	[spmem:s2] =	stream.indirect.scatter.add.bf16 [tilespmem:s15], [sflag:$0x3], $0x10, s24, s14, $0xb8;
	[tilespmem:$0xD600] =	vst v63  }
0x36: {  	_ =	swait.ge [sflag:s10], $0x800  }
0x37: {  	[sflag:s10] =	ssyncset.done $0x0  }
0x38: {  	s24 =	sadd.s32 $0x100, s23;
	[sflag:s10] =	ssyncadd.s32 $0xFFFFF800  }
0x39: {  	[tilespmem:s15], [sflag:$0x1] =	stream.indirect.gather [hbm4b:s4+s14], $0x10, s24, s14, $0xb8;
	[tilespmem:$0xD600] =	vst v63  }
0x3a: {  	_ =	swait.ge [sflag:s18], $0x800  }
.Ltmp0:
0x3b: {  	[sflag:s18] =	ssyncset.done $0x0;
	(pc) =	sbr.rel @p0 .LBB2_2-.Ltmp0, $4  }
0x3c: {  	s23 =	sadd.s32 $0x4F80, s23;
	[sflag:s18] =	ssyncadd.s32 $0xFFFFF800  }
0x3d: {  	[spmem:s2] =	stream.indirect.scatter.add.bf16 [tilespmem:s16], [sflag:$0x3], $0x10, s23, s14, $0xb8;
	[tilespmem:$0xD600] =	vst v63  }
0x3e: {  	_ =	swait.ge [sflag:s10], $0x800  }
0x3f: {  	s24 =	smov.u32 s28;
	s23 =	sshra.s32 s26, $0x2;
	[sflag:s10] =	ssyncset.done $0x0  }
0x40: {  	s24 =	sadd.s32 $0x80, s23;
	[sflag:s10] =	ssyncadd.s32 $0xFFFFF800  }
0x41: {  	[tilespmem:s16], [sflag:$0x2] =	stream.indirect.gather [hbm4b:s4+s14], $0x10, s24, s14, $0xb8;
	[tilespmem:$0xD600] =	vst v63  }
0x42: {  	_ =	swait.ge [sflag:s17], $0x800  }
0x43: {  	[sflag:s17] =	ssyncset.done $0x0  }
0x44: {  	s29 =	sadd.s32 $0x4F00, s23;
	[sflag:s17] =	ssyncadd.s32 $0xFFFFF800  }
0x45: {  	[spmem:s2] =	stream.indirect.scatter.add.bf16 [tilespmem:s15], [sflag:$0x3], $0x10, s29, s14, $0xb8;
	[tilespmem:$0xD600] =	vst v63  }
0x46: {  	_ =	swait.ge [sflag:s10], $0x800  }
0x47: {  	[sflag:s10] =	ssyncset.done $0x0  }
0x48: {  	s30 =	sadd.s32 $0x100, s23;
	[sflag:s10] =	ssyncadd.s32 $0xFFFFF800  }
0x49: {  	[tilespmem:s15], [sflag:$0x1] =	stream.indirect.gather [hbm4b:s4+s14], $0x10, s30, s14, $0xb8;
	[tilespmem:$0xD600] =	vst v63  }
0x4a: {  	_ =	swait.ge [sflag:s18], $0x800  }
0x4b: {  	[sflag:s18] =	ssyncset.done $0x0  }
0x4c: {  	s31 =	sadd.s32 $0x4F80, s23;
	[sflag:s18] =	ssyncadd.s32 $0xFFFFF800  }
0x4d: {  	[spmem:s2] =	stream.indirect.scatter.add.bf16 [tilespmem:s16], [sflag:$0x3], $0x10, s31, s14, $0xb8;
	[tilespmem:$0xD600] =	vst v63  }
0x4e: {  	_ =	swait.ge [sflag:s10], $0x800  }
0x4f: {  	[sflag:s10] =	ssyncset.done $0x0  }
0x50: {  	[sflag:s10] =	ssyncadd.s32 $0xFFFFF800  }
0x51: {  	[tilespmem:s16], [sflag:$0x2] =	stream.indirect.gather [hbm4b:s4+s14], $0x10, s19, s14, $0xb8;
	[tilespmem:$0xD600] =	vst v63  }
0x52: {  	_ =	swait.ge [sflag:s17], $0x800  }
0x53: {  	[sflag:s17] =	ssyncset.done $0x0  }
0x54: {  	[sflag:s17] =	ssyncadd.s32 $0xFFFFF800  }
0x55: {  	[spmem:s2] =	stream.indirect.scatter.add.bf16 [tilespmem:s15], [sflag:$0x3], $0x10, s20, s14, $0xb8;
	[tilespmem:$0xD600] =	vst v63  }
0x56: {  	_ =	swait.ge [sflag:s10], $0x800  }
0x57: {  	[sflag:s10] =	ssyncset.done $0x0  }
0x58: {  	[sflag:s10] =	ssyncadd.s32 $0xFFFFF800  }
0x59: {  	_ =	swait.ge [sflag:s18], $0x800  }
0x5a: {  	[sflag:s18] =	ssyncset.done $0x0  }
0x5b: {  	[sflag:s18] =	ssyncadd.s32 $0xFFFFF800  }
0x5c: {  	[spmem:s2] =	stream.indirect.scatter.add.bf16 [tilespmem:s16], [sflag:$0x3], $0x10, s21, s14, $0xb8;
	[tilespmem:$0xD600] =	vst v63  }
0x5d: {  	_ =	swait.ge [sflag:s10], $0x800  }
0x5e: {  	s22 =	sadd.s32 $0x1, s22;
	[sflag:s10] =	ssyncset.done $0x0  }
0x5f: {  	p0 =	sne.s32 s22, s9;
	[sflag:s10] =	ssyncadd.s32 $0xFFFFF800  }
.Ltmp1:
0x60: {  	[bflag:$0x0] =	sbarrier.arrive $0xFFFF;
	(pc) =	sbr.rel @p0 .LBB2_1-.Ltmp1, $4  }
0x61: {  	[hbm:s8], [sflag:s12] =	dma.local [spmem:s13], $0x500  }
0x62: {  	_ =	swait.ge [sflag:s10], $0x500  }
0x63: {  	[sflag:s10] =	ssyncset.done $0x0  }
0x64: {  	[sflag:s10] =	ssyncadd.s32 $0xFFFFFB00  }
0x65: {  	_ =	sfence.sel $0x180000  }
0x66: {  	[bflag:$0x0] =	sbarrier.arrive $0xFFFF  }
0x67: {  	p0 =	sne.s32 s0, $0x0;
	_ =	strace $0x90000050  }
0x68: {  	s0 =	sadd.s32 @!p0 $0x100000, s1;
	[bflag:$0x2] =	sbarrier.arrive $0xFFFF  }
0x69: {  	[sflag:s0] =	ssyncadd.tile.s32 @!p0 $0x1;
	_ =	shalt  }
.Lfunc_end2:
_tile_overlayer_lowered:
.L_overlay_start_2:
0x6a: {  	(tag) =	ssettag $0x2  }
0x6b: {  	s0 =	rddreg [dreg:$0x0];
	s2 =	stileid.u32  }
0x6c: {  	s1 =	rddreg [dreg:$0x1];
	p0 =	sne.s32 s2, $0x0  }
0x6d: {  	s3 =	rddreg [dreg:$0x2];
	[bflag:$0x3] =	sbarrier.arrive $0xFFFF;
	s2 =	simm.s32 @!p0 $0x1C03  }
0x6e: {  	[timem:s3], [sflag:s2] =	dma.local @!p0 [hbm:s0], s1  }
0x6f: {  	s0 =	simm.s32 @!p0 $0x3  }
0x70: {  	_ =	swait.ge @!p0 [sflag:s0], s1  }
0x71: {  	s1 =	ssub.s32 @!p0 $0x0, s1;
	[sflag:s0] =	ssyncset.done @!p0 $0x0  }
0x72: {  	[sflag:s0] =	ssyncadd.s32 @!p0 s1  }
0x73: {  	[bflag:$0x3] =	sbarrier.arrive $0xFFFF  }
0x74: {  	_ =	shalt  }

</sc_bundles>
